<compile_context>
chip_gen: v7x
topology: tpu7x:2x2x1
jax: 0.10.2.dev20260603
libtpu: 0.0.44.dev20260713+nightly
codegen_flags: <defaults>
</compile_context>

<pallas_src>
import dataclasses
import functools

import jax
import jax.numpy as jnp
from jax import lax
from jax.experimental import pallas as pl
from jax.experimental.pallas import tpu as pltpu
from jax.experimental.pallas import tpu_sc as plsc

NC = 2
NS = 16
NW = NC * NS
L = 16
EB = 64
ZR = 32


def _sc_scatter(nfeat, edges_b, rowidx_z, rowidx_c, zeros_c, np_):
    n, d = nfeat.shape
    n_blocks = edges_b.shape[0]
    blocks_per_w = n_blocks // NW
    pairs = blocks_per_w // 2
    rows_per_tile = np_ // NS
    nz = rows_per_tile // ZR
    ncp = rows_per_tile // EB
    cpairs = ncp // 2
    mesh = plsc.VectorSubcoreMesh(core_axis_name="c", subcore_axis_name="s")
    cp = pltpu.CompilerParams()
    if "needs_layout_passes" in pltpu.CompilerParams.__dataclass_fields__:
        cp = dataclasses.replace(cp, needs_layout_passes=False)

    @functools.partial(
        pl.kernel,
        compiler_params=cp,
        out_type=(
            jax.ShapeDtypeStruct((NC, np_, d), jnp.float32),
            jax.ShapeDtypeStruct((NC, NS, np_), jnp.float32),
        ),
        mesh=mesh,
        scratch_types=[
            pltpu.VMEM_SHARED((np_, d), jnp.float32),
            pltpu.VMEM((2, EB), jnp.int32),
            pltpu.VMEM((2, EB), jnp.int32),
            pltpu.VMEM((nz, ZR), jnp.int32),
            pltpu.VMEM((ncp, EB), jnp.int32),
            pltpu.VMEM((EB, d), jnp.float32),
            pltpu.VMEM((EB, d), jnp.float32),
            pltpu.VMEM((ZR, d), jnp.float32),
            pltpu.VMEM((np_,), jnp.float32),
            pltpu.SemaphoreType.DMA,
            pltpu.SemaphoreType.DMA,
            pltpu.SemaphoreType.DMA,
            pltpu.SemaphoreType.DMA,
            pltpu.SemaphoreType.DMA,
            pltpu.SemaphoreType.DMA,
        ],
    )
    def k(nfeat_hbm, edges_hbm, ridxz_hbm, ridxc_hbm, zeros_hbm,
          out_acc, out_cnt,
          acc_sh, sidx0, sidx1, ridxz_v, ridxc_v, rows0, rows1, zd_v, cnt_v,
          sem_g0, sem_g1, sem_s0, sem_s1, sem_i0, sem_i1):
        cid = lax.axis_index("c")
        sid = lax.axis_index("s")
        wid = sid * NC + cid

        zero16 = jnp.zeros((L,), jnp.float32)
        one16 = jnp.ones((L,), jnp.float32)

        pltpu.sync_copy(zeros_hbm, zd_v)
        pltpu.sync_copy(ridxz_hbm.at[sid], ridxz_v)
        pltpu.sync_copy(ridxc_hbm.at[sid], ridxc_v)

        @pl.loop(0, np_ // L)
        def _(i):
            cnt_v[pl.ds(i * L, L)] = zero16

        row0 = sid * rows_per_tile

        @pl.loop(0, nz)
        def _(i):
            pltpu.async_copy(zd_v, acc_sh.at[ridxz_v.at[i]], sem_s0)

        @pl.loop(0, nz)
        def _(i):
            pltpu.make_async_copy(zd_v, acc_sh.at[ridxz_v.at[0]],
                                  sem_s0).wait()

        plsc.subcore_barrier()

        def hist(sidx):
            for c in range(EB // L):
                idx = sidx[1, pl.ds(c * L, L)]
                plsc.addupdate_scatter(cnt_v, [idx], one16)

        def load_idx(sidx, j):
            pltpu.sync_copy(edges_hbm.at[wid + j * NW], sidx)

        def start_idx(sidx, j, sem):
            pltpu.async_copy(edges_hbm.at[wid + j * NW], sidx, sem)

        def wait_idx(sidx, j, sem):
            pltpu.make_async_copy(edges_hbm.at[wid + j * NW], sidx,
                                  sem).wait()

        def start_gather(sidx, rows, sem):
            pltpu.async_copy(nfeat_hbm.at[sidx.at[0]], rows, sem)

        def wait_gather(sidx, rows, sem):
            pltpu.make_async_copy(nfeat_hbm.at[sidx.at[0]], rows, sem).wait()

        def start_scatter(sidx, rows, sem):
            pltpu.async_copy(rows, acc_sh.at[sidx.at[1]], sem, add=True)

        def wait_scatter(sidx, rows, sem):
            pltpu.make_async_copy(rows, acc_sh.at[sidx.at[1]], sem).wait()

        load_idx(sidx0, 0)
        start_gather(sidx0, rows0, sem_g0)
        load_idx(sidx1, 1)
        start_gather(sidx1, rows1, sem_g1)
        wait_gather(sidx0, rows0, sem_g0)
        hist(sidx0)
        start_scatter(sidx0, rows0, sem_s0)
        wait_gather(sidx1, rows1, sem_g1)
        hist(sidx1)
        start_scatter(sidx1, rows1, sem_s1)

        @pl.loop(1, pairs)
        def _(i):
            wait_scatter(sidx0, rows0, sem_s0)
            start_idx(sidx0, 2 * i, sem_i0)
            wait_scatter(sidx1, rows1, sem_s1)
            start_idx(sidx1, 2 * i + 1, sem_i1)
            wait_idx(sidx0, 2 * i, sem_i0)
            start_gather(sidx0, rows0, sem_g0)
            wait_idx(sidx1, 2 * i + 1, sem_i1)
            start_gather(sidx1, rows1, sem_g1)
            wait_gather(sidx0, rows0, sem_g0)
            hist(sidx0)
            start_scatter(sidx0, rows0, sem_s0)
            wait_gather(sidx1, rows1, sem_g1)
            hist(sidx1)
            start_scatter(sidx1, rows1, sem_s1)

        wait_scatter(sidx0, rows0, sem_s0)
        wait_scatter(sidx1, rows1, sem_s1)

        plsc.subcore_barrier()

        pltpu.sync_copy(cnt_v, out_cnt.at[cid, sid])

        def cstart_gather(c, rows, sem):
            pltpu.async_copy(acc_sh.at[ridxc_v.at[c]], rows, sem)

        def cwait_gather(c, rows, sem):
            pltpu.make_async_copy(acc_sh.at[ridxc_v.at[c]], rows, sem).wait()

        def cstart_write(c, rows, sem):
            pltpu.async_copy(rows, out_acc.at[cid, pl.ds(row0 + c * EB, EB)],
                             sem)

        def cwait_write(c, rows, sem):
            pltpu.make_async_copy(rows,
                                  out_acc.at[cid, pl.ds(row0 + c * EB, EB)],
                                  sem).wait()

        cstart_gather(0, rows0, sem_g0)
        cstart_gather(1, rows1, sem_g1)
        cwait_gather(0, rows0, sem_g0)
        cstart_write(0, rows0, sem_s0)
        cwait_gather(1, rows1, sem_g1)
        cstart_write(1, rows1, sem_s1)

        @pl.loop(1, cpairs)
        def _(i):
            cwait_write(2 * i - 2, rows0, sem_s0)
            cstart_gather(2 * i, rows0, sem_g0)
            cwait_write(2 * i - 1, rows1, sem_s1)
            cstart_gather(2 * i + 1, rows1, sem_g1)
            cwait_gather(2 * i, rows0, sem_g0)
            cstart_write(2 * i, rows0, sem_s0)
            cwait_gather(2 * i + 1, rows1, sem_g1)
            cstart_write(2 * i + 1, rows1, sem_s1)

        cwait_write(ncp - 2, rows0, sem_s0)
        cwait_write(ncp - 1, rows1, sem_s1)

    return k(nfeat, edges_b, rowidx_z, rowidx_c, zeros_c)


def _tc_finish(p0, p1, cnt, nfeat, wt, b):
    n, d = nfeat.shape
    rb = 1000

    def body(p0_ref, p1_ref, c_ref, nf_ref, w_ref, b_ref, o_ref):
        z = p0_ref[...] + p1_ref[...] + 2.0 * nf_ref[...]
        deg = jnp.sum(c_ref[...], axis=1, keepdims=True) + 1.0
        y = jnp.dot(z, w_ref[...], preferred_element_type=jnp.float32)
        o_ref[...] = y / deg + b_ref[...] * (1.0 + 1.0 / deg)

    feat_spec = pl.BlockSpec((rb, d), lambda i: (i, 0))
    cnt_spec = pl.BlockSpec((rb, NW), lambda i: (i, 0))
    return pl.pallas_call(
        body,
        grid=(n // rb,),
        in_specs=[feat_spec, feat_spec, cnt_spec, feat_spec,
                  pl.BlockSpec((d, d), lambda i: (0, 0)),
                  pl.BlockSpec((1, d), lambda i: (0, 0))],
        out_specs=feat_spec,
        out_shape=jax.ShapeDtypeStruct((n, d), jnp.float32),
    )(p0, p1, cnt, nfeat, wt, b)


def kernel(nfeat, edge_index, W_neigh, b_neigh):
    n, d = nfeat.shape
    e = edge_index.shape[1]
    np_ = ((n + NS * 8 - 1) // (NS * 8)) * (NS * 8) + NS * 8
    epq = NW * EB * 2
    ep = ((e + epq - 1) // epq) * epq
    src = edge_index[0].astype(jnp.int32)
    dst = edge_index[1].astype(jnp.int32)
    src = jnp.concatenate([src, jnp.zeros((ep - e,), jnp.int32)])
    dst = jnp.concatenate([dst, jnp.full((ep - e,), n, jnp.int32)])
    edges_b = jnp.stack([src.reshape(-1, EB), dst.reshape(-1, EB)], axis=1)
    rowidx_z = jnp.arange(np_, dtype=jnp.int32).reshape(NS, -1, ZR)
    rowidx_c = jnp.arange(np_, dtype=jnp.int32).reshape(NS, -1, EB)
    zeros_c = jnp.zeros((ZR, d), jnp.float32)
    acc, cnt = _sc_scatter(nfeat, edges_b, rowidx_z, rowidx_c, zeros_c, np_)
    cnt_t = cnt.reshape(NW, np_)[:, :n].T
    return _tc_finish(acc[0, :n], acc[1, :n], cnt_t, nfeat,
                      W_neigh.T, b_neigh.reshape(1, -1))

# --- scband reference (transcript-rebuilt; emitter-appended) ---
"""Pipeline reference for scband-graph-sage-layer-6605659701688 (READ-ONLY COPY).

The authoritative reference and input builder live on the scoring server;
editing this copy changes nothing except your own understanding.
"""

import jax, jax.numpy as jnp
import numpy as np

N_NODES = 10000
N_EDGES = 320000
D_IN = 128
D_OUT = 128


def setup_inputs(seed: int = 0) -> dict:
    key = jax.random.key(seed)
    k1, k2, k3, k4 = jax.random.split(key, 4)
    nfeat = jax.random.normal(k1, (N_NODES, D_IN), dtype=jnp.float32)
    edge_index = jax.random.randint(k2, (2, N_EDGES), 0, N_NODES, dtype=jnp.int64)
    # SAGEConv (aggregator_type='gcn') fc_neigh: Linear(input_dim, output_dim)
    lim = 1.0 / np.sqrt(D_IN)
    W_neigh = jax.random.uniform(k3, (D_OUT, D_IN), dtype=jnp.float32, minval=-lim, maxval=lim)
    b_neigh = jax.random.uniform(k4, (D_OUT,), dtype=jnp.float32, minval=-lim, maxval=lim)
    return {"nfeat": nfeat, "edge_index": edge_index, "W_neigh": W_neigh, "b_neigh": b_neigh}


def reference(nfeat, edge_index, W_neigh, b_neigh):
    # DGL GraphSageLayer with SAGEConv(aggregator_type='gcn'), econv=False.
    src = edge_index[0]
    dst = edge_index[1]
    n = nfeat.shape[0]
    # in-degrees of destination nodes
    deg = jnp.zeros((n,), dtype=jnp.float32).at[dst].add(1.0)
    degs_p1 = deg + 1.0  # graph.in_degrees().float() + 1
    # sfeat = fc_neigh(nfeat) / degs
    sfeat = (nfeat @ W_neigh.T + b_neigh) / degs_p1[:, None]
    # SAGEConv 'gcn' aggregation: sum of source feats scattered to dst, plus self, normalized by (deg+1)
    msgs = jnp.take(nfeat, src, axis=0)
    neigh_sum = jnp.zeros((n, nfeat.shape[1]), dtype=nfeat.dtype).at[dst].add(msgs)
    h_neigh = (neigh_sum + nfeat) / degs_p1[:, None]
    sage_out = h_neigh @ W_neigh.T + b_neigh
    rst = sage_out + sfeat
    return rst

if __name__ == "__main__":
    import jax
    _d = setup_inputs()
    print(jax.jit(kernel)(*tuple(_d.values())))

</pallas_src>

<mosaic_0001>
#map = affine_map<(d0, d1) -> (0, 0)>
#map1 = affine_map<(d0, d1) -> (0, 0, 0)>
module attributes {stable_mosaic.version = 14 : i64} {
  func.func @k(%arg0: i32, %arg1: i32, %arg2: memref<10000x128xf32, #tpu.memory_space<hbm>>, %arg3: memref<5056x2x64xi32, #tpu.memory_space<hbm>>, %arg4: memref<16x20x32xi32, #tpu.memory_space<hbm>>, %arg5: memref<16x10x64xi32, #tpu.memory_space<hbm>>, %arg6: memref<32x128xf32, #tpu.memory_space<hbm>>, %arg7: memref<2x10240x128xf32, #tpu.memory_space<hbm>>, %arg8: memref<2x16x10240xf32, #tpu.memory_space<hbm>>, %arg9: memref<10240x128xf32, #tpu.memory_space<vmem_shared>>, %arg10: memref<2x64xi32, #tpu.memory_space<vmem>>, %arg11: memref<2x64xi32, #tpu.memory_space<vmem>>, %arg12: memref<20x32xi32, #tpu.memory_space<vmem>>, %arg13: memref<10x64xi32, #tpu.memory_space<vmem>>, %arg14: memref<64x128xf32, #tpu.memory_space<vmem>>, %arg15: memref<64x128xf32, #tpu.memory_space<vmem>>, %arg16: memref<32x128xf32, #tpu.memory_space<vmem>>, %arg17: memref<10240xf32, #tpu.memory_space<vmem>>, %arg18: memref<!tpu.dma_semaphore, #tpu.memory_space<semaphore_mem>>, %arg19: memref<!tpu.dma_semaphore, #tpu.memory_space<semaphore_mem>>, %arg20: memref<!tpu.dma_semaphore, #tpu.memory_space<semaphore_mem>>, %arg21: memref<!tpu.dma_semaphore, #tpu.memory_space<semaphore_mem>>, %arg22: memref<!tpu.dma_semaphore, #tpu.memory_space<semaphore_mem>>, %arg23: memref<!tpu.dma_semaphore, #tpu.memory_space<semaphore_mem>>) attributes {dimension_semantics = [#tpu.dimension_semantics<core_parallel>, #tpu.dimension_semantics<subcore_parallel>], iteration_bounds = array<i64: 2, 16>, scalar_prefetch = 0 : i64, scratch_operands = 15 : i64, tpu.core_type = #tpu.core_type<sc_vector_subcore>, window_params = [{transform_indices = #map}, {transform_indices = #map1}, {transform_indices = #map1}, {transform_indices = #map1}, {transform_indices = #map}, {transform_indices = #map1}, {transform_indices = #map1}]} {
    %mul3A = arith.constant 2 : i32
    %mul3A_0 = arith.muli %arg1, %mul3A : i32
    %add3A = arith.addi %mul3A_0, %arg0 : i32
    %broadcast_in_dim3A = arith.constant 0.000000e+00 : f32
    %broadcast_in_dim3A_1 = vector.broadcast %broadcast_in_dim3A : f32 to vector<16xf32>
    %broadcast_in_dim3A_2 = arith.constant 1.000000e+00 : f32
    %broadcast_in_dim3A_3 = vector.broadcast %broadcast_in_dim3A_2 : f32 to vector<16xf32>
    "tpu.region"() ({
      %run_scoped3A = tpu.sem_alloc : memref<!tpu.dma_semaphore, #tpu.memory_space<semaphore_mem>>
      tpu.enqueue_dma source(%arg6 : memref<32x128xf32, #tpu.memory_space<hbm>>) target(%arg16 : memref<32x128xf32, #tpu.memory_space<vmem>>) target_semaphore(%run_scoped3A : memref<!tpu.dma_semaphore, #tpu.memory_space<semaphore_mem>>)
      tpu.wait_dma2 semaphore(%run_scoped3A : memref<!tpu.dma_semaphore, #tpu.memory_space<semaphore_mem>>) src(%arg6 : memref<32x128xf32, #tpu.memory_space<hbm>>) dst(%arg16 : memref<32x128xf32, #tpu.memory_space<vmem>>)
      tpu.yield
    }) : () -> ()
    "tpu.region"() ({
      %run_scoped3A = tpu.sem_alloc : memref<!tpu.dma_semaphore, #tpu.memory_space<semaphore_mem>>
      %dma_start3A_180 = arith.constant 0 : i32
      %dma_start3A_181 = arith.constant 0 : i32
      %dma_start3A_182 = tpu.memref_slice %arg4[%arg1, %dma_start3A_180, %dma_start3A_181] : memref<16x20x32xi32, #tpu.memory_space<hbm>> -> memref<1x20x32xi32, #tpu.memory_space<hbm>>
      %dma_start3A_183 = tpu.memref_squeeze %dma_start3A_182 : memref<1x20x32xi32, #tpu.memory_space<hbm>> -> memref<20x32xi32, #tpu.memory_space<hbm>>
      %dma_start3A_184 = arith.constant 0 : i32
      %dma_start3A_185 = arith.constant 0 : i32
      %dma_start3A_186 = tpu.memref_slice %arg4[%arg1, %dma_start3A_184, %dma_start3A_185] : memref<16x20x32xi32, #tpu.memory_space<hbm>> -> memref<1x20x32xi32, #tpu.memory_space<hbm>>
      %dma_start3A_187 = tpu.memref_squeeze %dma_start3A_186 : memref<1x20x32xi32, #tpu.memory_space<hbm>> -> memref<20x32xi32, #tpu.memory_space<hbm>>
      tpu.enqueue_dma source(%dma_start3A_187 : memref<20x32xi32, #tpu.memory_space<hbm>>) target(%arg12 : memref<20x32xi32, #tpu.memory_space<vmem>>) target_semaphore(%run_scoped3A : memref<!tpu.dma_semaphore, #tpu.memory_space<semaphore_mem>>)
      %dma_wait3A_188 = arith.constant 0 : i32
      %dma_wait3A_189 = arith.constant 0 : i32
      %dma_wait3A_190 = tpu.memref_slice %arg4[%arg1, %dma_wait3A_188, %dma_wait3A_189] : memref<16x20x32xi32, #tpu.memory_space<hbm>> -> memref<1x20x32xi32, #tpu.memory_space<hbm>>
      %dma_wait3A_191 = tpu.memref_squeeze %dma_wait3A_190 : memref<1x20x32xi32, #tpu.memory_space<hbm>> -> memref<20x32xi32, #tpu.memory_space<hbm>>
      %dma_wait3A_192 = arith.constant 0 : i32
      %dma_wait3A_193 = arith.constant 0 : i32
      %dma_wait3A_194 = tpu.memref_slice %arg4[%arg1, %dma_wait3A_192, %dma_wait3A_193] : memref<16x20x32xi32, #tpu.memory_space<hbm>> -> memref<1x20x32xi32, #tpu.memory_space<hbm>>
      %dma_wait3A_195 = tpu.memref_squeeze %dma_wait3A_194 : memref<1x20x32xi32, #tpu.memory_space<hbm>> -> memref<20x32xi32, #tpu.memory_space<hbm>>
      tpu.wait_dma2 semaphore(%run_scoped3A : memref<!tpu.dma_semaphore, #tpu.memory_space<semaphore_mem>>) src(%dma_wait3A_195 : memref<20x32xi32, #tpu.memory_space<hbm>>) dst(%arg12 : memref<20x32xi32, #tpu.memory_space<vmem>>)
      tpu.yield
    }) : () -> ()
    "tpu.region"() ({
      %run_scoped3A = tpu.sem_alloc : memref<!tpu.dma_semaphore, #tpu.memory_space<semaphore_mem>>
      %dma_start3A_180 = arith.constant 0 : i32
      %dma_start3A_181 = arith.constant 0 : i32
      %dma_start3A_182 = tpu.memref_slice %arg5[%arg1, %dma_start3A_180, %dma_start3A_181] : memref<16x10x64xi32, #tpu.memory_space<hbm>> -> memref<1x10x64xi32, #tpu.memory_space<hbm>>
      %dma_start3A_183 = tpu.memref_squeeze %dma_start3A_182 : memref<1x10x64xi32, #tpu.memory_space<hbm>> -> memref<10x64xi32, #tpu.memory_space<hbm>>
      %dma_start3A_184 = arith.constant 0 : i32
      %dma_start3A_185 = arith.constant 0 : i32
      %dma_start3A_186 = tpu.memref_slice %arg5[%arg1, %dma_start3A_184, %dma_start3A_185] : memref<16x10x64xi32, #tpu.memory_space<hbm>> -> memref<1x10x64xi32, #tpu.memory_space<hbm>>
      %dma_start3A_187 = tpu.memref_squeeze %dma_start3A_186 : memref<1x10x64xi32, #tpu.memory_space<hbm>> -> memref<10x64xi32, #tpu.memory_space<hbm>>
      tpu.enqueue_dma source(%dma_start3A_187 : memref<10x64xi32, #tpu.memory_space<hbm>>) target(%arg13 : memref<10x64xi32, #tpu.memory_space<vmem>>) target_semaphore(%run_scoped3A : memref<!tpu.dma_semaphore, #tpu.memory_space<semaphore_mem>>)
      %dma_wait3A_188 = arith.constant 0 : i32
      %dma_wait3A_189 = arith.constant 0 : i32
      %dma_wait3A_190 = tpu.memref_slice %arg5[%arg1, %dma_wait3A_188, %dma_wait3A_189] : memref<16x10x64xi32, #tpu.memory_space<hbm>> -> memref<1x10x64xi32, #tpu.memory_space<hbm>>
      %dma_wait3A_191 = tpu.memref_squeeze %dma_wait3A_190 : memref<1x10x64xi32, #tpu.memory_space<hbm>> -> memref<10x64xi32, #tpu.memory_space<hbm>>
      %dma_wait3A_192 = arith.constant 0 : i32
      %dma_wait3A_193 = arith.constant 0 : i32
      %dma_wait3A_194 = tpu.memref_slice %arg5[%arg1, %dma_wait3A_192, %dma_wait3A_193] : memref<16x10x64xi32, #tpu.memory_space<hbm>> -> memref<1x10x64xi32, #tpu.memory_space<hbm>>
      %dma_wait3A_195 = tpu.memref_squeeze %dma_wait3A_194 : memref<1x10x64xi32, #tpu.memory_space<hbm>> -> memref<10x64xi32, #tpu.memory_space<hbm>>
      tpu.wait_dma2 semaphore(%run_scoped3A : memref<!tpu.dma_semaphore, #tpu.memory_space<semaphore_mem>>) src(%dma_wait3A_195 : memref<10x64xi32, #tpu.memory_space<hbm>>) dst(%arg13 : memref<10x64xi32, #tpu.memory_space<vmem>>)
      tpu.yield
    }) : () -> ()
    %scan3A = arith.constant 0 : i32
    %scan3A_4 = arith.constant 640 : i32
    %scan3A_5 = arith.addi %scan3A, %scan3A_4 : i32
    %scan3A_6 = arith.constant 1 : i32
    scf.for %scan3A_180 = %scan3A to %scan3A_5 step %scan3A_6  : i32 {
      %mul3A_181 = arith.constant 1 : i32
      %mul3A_182 = arith.muli %scan3A_180, %mul3A_181 : i32
      %add3A_183 = arith.constant 0 : i32
      %add3A_184 = arith.addi %add3A_183, %mul3A_182 : i32
      %mul3A_185 = arith.constant 16 : i32
      %mul3A_186 = arith.muli %add3A_184, %mul3A_185 : i32
      %swap3A = arith.index_cast %mul3A_186 : i32 to index
      %swap3A_187 = tpu.vector_load %arg17[%swap3A] {strides = array<i32>} : memref<10240xf32, #tpu.memory_space<vmem>>, vector<16xf32>,
      tpu.vector_store %arg17[%swap3A], %broadcast_in_dim3A_1 {strides = array<i32>} : memref<10240xf32, #tpu.memory_space<vmem>>, vector<16xf32>,
    }
    %scan3A_7 = arith.constant 640 : i32
    %mul3A_8 = arith.constant 640 : i32
    %mul3A_9 = arith.muli %arg1, %mul3A_8 : i32
    %scan3A_10 = arith.constant 0 : i32
    %scan3A_11 = arith.constant 20 : i32
    %scan3A_12 = arith.addi %scan3A_10, %scan3A_11 : i32
    %scan3A_13 = arith.constant 1 : i32
    scf.for %scan3A_180 = %scan3A_10 to %scan3A_12 step %scan3A_13  : i32 {
      %mul3A_181 = arith.constant 1 : i32
      %mul3A_182 = arith.muli %scan3A_180, %mul3A_181 : i32
      %add3A_183 = arith.constant 0 : i32
      %add3A_184 = arith.addi %add3A_183, %mul3A_182 : i32
      %dma_start3A_185 = arith.constant 0 : i32
      %dma_start3A_186 = tpu.memref_slice %arg12[%add3A_184, %dma_start3A_185] : memref<20x32xi32, #tpu.memory_space<vmem>> -> memref<1x32xi32, #tpu.memory_space<vmem>>
      %dma_start3A_187 = tpu.memref_squeeze %dma_start3A_186 : memref<1x32xi32, #tpu.memory_space<vmem>> -> memref<32xi32, #tpu.memory_space<vmem>>
      %dma_start3A_188 = arith.constant 0 : i32
      %dma_start3A_189 = arith.constant 0 : i32
      %dma_start3A_190 = tpu.memref_slice %arg9[%dma_start3A_188, %dma_start3A_189] : memref<10240x128xf32, #tpu.memory_space<vmem_shared>> -> memref<10240x128xf32, #tpu.memory_space<vmem_shared>>
      tpu.enqueue_indirect_dma source(%arg16 : memref<32x128xf32, #tpu.memory_space<vmem>>) target(%dma_start3A_190 : memref<10240x128xf32, #tpu.memory_space<vmem_shared>>) offsets(%dma_start3A_187 : memref<32xi32, #tpu.memory_space<vmem>>) semaphore(%arg20 : memref<!tpu.dma_semaphore, #tpu.memory_space<semaphore_mem>>)
    }
    %scan3A_14 = arith.constant 20 : i32
    %scan3A_15 = arith.constant 0 : i32
    %scan3A_16 = arith.constant 20 : i32
    %scan3A_17 = arith.addi %scan3A_15, %scan3A_16 : i32
    %scan3A_18 = arith.constant 1 : i32
    scf.for %scan3A_180 = %scan3A_15 to %scan3A_17 step %scan3A_18  : i32 {
      %mul3A_181 = arith.constant 1 : i32
      %mul3A_182 = arith.muli %scan3A_180, %mul3A_181 : i32
      %add3A_183 = arith.constant 0 : i32
      %add3A_184 = arith.addi %add3A_183, %mul3A_182 : i32
      %dma_wait3A_185 = arith.constant 0 : i32
      %dma_wait3A_186 = arith.constant 0 : i32
      %dma_wait3A_187 = tpu.memref_slice %arg12[%dma_wait3A_185, %dma_wait3A_186] : memref<20x32xi32, #tpu.memory_space<vmem>> -> memref<1x32xi32, #tpu.memory_space<vmem>>
      %dma_wait3A_188 = tpu.memref_squeeze %dma_wait3A_187 : memref<1x32xi32, #tpu.memory_space<vmem>> -> memref<32xi32, #tpu.memory_space<vmem>>
      %dma_wait3A_189 = arith.constant 0 : i32
      %dma_wait3A_190 = arith.constant 0 : i32
      %dma_wait3A_191 = tpu.memref_slice %arg9[%dma_wait3A_189, %dma_wait3A_190] : memref<10240x128xf32, #tpu.memory_space<vmem_shared>> -> memref<10240x128xf32, #tpu.memory_space<vmem_shared>>
      tpu.wait_indirect_dma semaphore(%arg20 : memref<!tpu.dma_semaphore, #tpu.memory_space<semaphore_mem>>) src(%arg16 : memref<32x128xf32, #tpu.memory_space<vmem>>) dst(%dma_wait3A_191 : memref<10240x128xf32, #tpu.memory_space<vmem_shared>>)
    }
    %scan3A_19 = arith.constant 20 : i32
    %barrier3A = arith.constant 0 : index
    tpu.barrier barrier_id(%barrier3A)
    %add3A_20 = arith.constant 0 : i32
    %add3A_21 = arith.addi %add3A, %add3A_20 : i32
    "tpu.region"() ({
      %run_scoped3A = tpu.sem_alloc : memref<!tpu.dma_semaphore, #tpu.memory_space<semaphore_mem>>
      %dma_start3A_180 = arith.constant 0 : i32
      %dma_start3A_181 = arith.constant 0 : i32
      %dma_start3A_182 = tpu.memref_slice %arg3[%add3A_21, %dma_start3A_180, %dma_start3A_181] : memref<5056x2x64xi32, #tpu.memory_space<hbm>> -> memref<1x2x64xi32, #tpu.memory_space<hbm>>
      %dma_start3A_183 = tpu.memref_squeeze %dma_start3A_182 : memref<1x2x64xi32, #tpu.memory_space<hbm>> -> memref<2x64xi32, #tpu.memory_space<hbm>>
      %dma_start3A_184 = arith.constant 0 : i32
      %dma_start3A_185 = arith.constant 0 : i32
      %dma_start3A_186 = tpu.memref_slice %arg3[%add3A_21, %dma_start3A_184, %dma_start3A_185] : memref<5056x2x64xi32, #tpu.memory_space<hbm>> -> memref<1x2x64xi32, #tpu.memory_space<hbm>>
      %dma_start3A_187 = tpu.memref_squeeze %dma_start3A_186 : memref<1x2x64xi32, #tpu.memory_space<hbm>> -> memref<2x64xi32, #tpu.memory_space<hbm>>
      tpu.enqueue_dma source(%dma_start3A_187 : memref<2x64xi32, #tpu.memory_space<hbm>>) target(%arg10 : memref<2x64xi32, #tpu.memory_space<vmem>>) target_semaphore(%run_scoped3A : memref<!tpu.dma_semaphore, #tpu.memory_space<semaphore_mem>>)
      %dma_wait3A_188 = arith.constant 0 : i32
      %dma_wait3A_189 = arith.constant 0 : i32
      %dma_wait3A_190 = tpu.memref_slice %arg3[%add3A_21, %dma_wait3A_188, %dma_wait3A_189] : memref<5056x2x64xi32, #tpu.memory_space<hbm>> -> memref<1x2x64xi32, #tpu.memory_space<hbm>>
      %dma_wait3A_191 = tpu.memref_squeeze %dma_wait3A_190 : memref<1x2x64xi32, #tpu.memory_space<hbm>> -> memref<2x64xi32, #tpu.memory_space<hbm>>
      %dma_wait3A_192 = arith.constant 0 : i32
      %dma_wait3A_193 = arith.constant 0 : i32
      %dma_wait3A_194 = tpu.memref_slice %arg3[%add3A_21, %dma_wait3A_192, %dma_wait3A_193] : memref<5056x2x64xi32, #tpu.memory_space<hbm>> -> memref<1x2x64xi32, #tpu.memory_space<hbm>>
      %dma_wait3A_195 = tpu.memref_squeeze %dma_wait3A_194 : memref<1x2x64xi32, #tpu.memory_space<hbm>> -> memref<2x64xi32, #tpu.memory_space<hbm>>
      tpu.wait_dma2 semaphore(%run_scoped3A : memref<!tpu.dma_semaphore, #tpu.memory_space<semaphore_mem>>) src(%dma_wait3A_195 : memref<2x64xi32, #tpu.memory_space<hbm>>) dst(%arg10 : memref<2x64xi32, #tpu.memory_space<vmem>>)
      tpu.yield
    }) : () -> ()
    %dma_start3A = arith.constant 0 : i32
    %dma_start3A_22 = arith.constant 0 : i32
    %dma_start3A_23 = tpu.memref_slice %arg10[%dma_start3A, %dma_start3A_22] : memref<2x64xi32, #tpu.memory_space<vmem>> -> memref<1x64xi32, #tpu.memory_space<vmem>>
    %dma_start3A_24 = tpu.memref_squeeze %dma_start3A_23 : memref<1x64xi32, #tpu.memory_space<vmem>> -> memref<64xi32, #tpu.memory_space<vmem>>
    %dma_start3A_25 = arith.constant 0 : i32
    %dma_start3A_26 = arith.constant 0 : i32
    %dma_start3A_27 = tpu.memref_slice %arg2[%dma_start3A_25, %dma_start3A_26] : memref<10000x128xf32, #tpu.memory_space<hbm>> -> memref<10000x128xf32, #tpu.memory_space<hbm>>
    tpu.enqueue_indirect_dma source(%dma_start3A_27 : memref<10000x128xf32, #tpu.memory_space<hbm>>) target(%arg14 : memref<64x128xf32, #tpu.memory_space<vmem>>) offsets(%dma_start3A_24 : memref<64xi32, #tpu.memory_space<vmem>>) semaphore(%arg18 : memref<!tpu.dma_semaphore, #tpu.memory_space<semaphore_mem>>)
    %add3A_28 = arith.constant 32 : i32
    %add3A_29 = arith.addi %add3A, %add3A_28 : i32
    "tpu.region"() ({
      %run_scoped3A = tpu.sem_alloc : memref<!tpu.dma_semaphore, #tpu.memory_space<semaphore_mem>>
      %dma_start3A_180 = arith.constant 0 : i32
      %dma_start3A_181 = arith.constant 0 : i32
      %dma_start3A_182 = tpu.memref_slice %arg3[%add3A_29, %dma_start3A_180, %dma_start3A_181] : memref<5056x2x64xi32, #tpu.memory_space<hbm>> -> memref<1x2x64xi32, #tpu.memory_space<hbm>>
      %dma_start3A_183 = tpu.memref_squeeze %dma_start3A_182 : memref<1x2x64xi32, #tpu.memory_space<hbm>> -> memref<2x64xi32, #tpu.memory_space<hbm>>
      %dma_start3A_184 = arith.constant 0 : i32
      %dma_start3A_185 = arith.constant 0 : i32
      %dma_start3A_186 = tpu.memref_slice %arg3[%add3A_29, %dma_start3A_184, %dma_start3A_185] : memref<5056x2x64xi32, #tpu.memory_space<hbm>> -> memref<1x2x64xi32, #tpu.memory_space<hbm>>
      %dma_start3A_187 = tpu.memref_squeeze %dma_start3A_186 : memref<1x2x64xi32, #tpu.memory_space<hbm>> -> memref<2x64xi32, #tpu.memory_space<hbm>>
      tpu.enqueue_dma source(%dma_start3A_187 : memref<2x64xi32, #tpu.memory_space<hbm>>) target(%arg11 : memref<2x64xi32, #tpu.memory_space<vmem>>) target_semaphore(%run_scoped3A : memref<!tpu.dma_semaphore, #tpu.memory_space<semaphore_mem>>)
      %dma_wait3A_188 = arith.constant 0 : i32
      %dma_wait3A_189 = arith.constant 0 : i32
      %dma_wait3A_190 = tpu.memref_slice %arg3[%add3A_29, %dma_wait3A_188, %dma_wait3A_189] : memref<5056x2x64xi32, #tpu.memory_space<hbm>> -> memref<1x2x64xi32, #tpu.memory_space<hbm>>
      %dma_wait3A_191 = tpu.memref_squeeze %dma_wait3A_190 : memref<1x2x64xi32, #tpu.memory_space<hbm>> -> memref<2x64xi32, #tpu.memory_space<hbm>>
      %dma_wait3A_192 = arith.constant 0 : i32
      %dma_wait3A_193 = arith.constant 0 : i32
      %dma_wait3A_194 = tpu.memref_slice %arg3[%add3A_29, %dma_wait3A_192, %dma_wait3A_193] : memref<5056x2x64xi32, #tpu.memory_space<hbm>> -> memref<1x2x64xi32, #tpu.memory_space<hbm>>
      %dma_wait3A_195 = tpu.memref_squeeze %dma_wait3A_194 : memref<1x2x64xi32, #tpu.memory_space<hbm>> -> memref<2x64xi32, #tpu.memory_space<hbm>>
      tpu.wait_dma2 semaphore(%run_scoped3A : memref<!tpu.dma_semaphore, #tpu.memory_space<semaphore_mem>>) src(%dma_wait3A_195 : memref<2x64xi32, #tpu.memory_space<hbm>>) dst(%arg11 : memref<2x64xi32, #tpu.memory_space<vmem>>)
      tpu.yield
    }) : () -> ()
    %dma_start3A_30 = arith.constant 0 : i32
    %dma_start3A_31 = arith.constant 0 : i32
    %dma_start3A_32 = tpu.memref_slice %arg11[%dma_start3A_30, %dma_start3A_31] : memref<2x64xi32, #tpu.memory_space<vmem>> -> memref<1x64xi32, #tpu.memory_space<vmem>>
    %dma_start3A_33 = tpu.memref_squeeze %dma_start3A_32 : memref<1x64xi32, #tpu.memory_space<vmem>> -> memref<64xi32, #tpu.memory_space<vmem>>
    %dma_start3A_34 = arith.constant 0 : i32
    %dma_start3A_35 = arith.constant 0 : i32
    %dma_start3A_36 = tpu.memref_slice %arg2[%dma_start3A_34, %dma_start3A_35] : memref<10000x128xf32, #tpu.memory_space<hbm>> -> memref<10000x128xf32, #tpu.memory_space<hbm>>
    tpu.enqueue_indirect_dma source(%dma_start3A_36 : memref<10000x128xf32, #tpu.memory_space<hbm>>) target(%arg15 : memref<64x128xf32, #tpu.memory_space<vmem>>) offsets(%dma_start3A_33 : memref<64xi32, #tpu.memory_space<vmem>>) semaphore(%arg19 : memref<!tpu.dma_semaphore, #tpu.memory_space<semaphore_mem>>)
    %dma_wait3A = arith.constant 0 : i32
    %dma_wait3A_37 = arith.constant 0 : i32
    %dma_wait3A_38 = tpu.memref_slice %arg10[%dma_wait3A, %dma_wait3A_37] : memref<2x64xi32, #tpu.memory_space<vmem>> -> memref<1x64xi32, #tpu.memory_space<vmem>>
    %dma_wait3A_39 = tpu.memref_squeeze %dma_wait3A_38 : memref<1x64xi32, #tpu.memory_space<vmem>> -> memref<64xi32, #tpu.memory_space<vmem>>
    %dma_wait3A_40 = arith.constant 0 : i32
    %dma_wait3A_41 = arith.constant 0 : i32
    %dma_wait3A_42 = tpu.memref_slice %arg2[%dma_wait3A_40, %dma_wait3A_41] : memref<10000x128xf32, #tpu.memory_space<hbm>> -> memref<10000x128xf32, #tpu.memory_space<hbm>>
    tpu.wait_indirect_dma semaphore(%arg18 : memref<!tpu.dma_semaphore, #tpu.memory_space<semaphore_mem>>) src(%dma_wait3A_42 : memref<10000x128xf32, #tpu.memory_space<hbm>>) dst(%arg14 : memref<64x128xf32, #tpu.memory_space<vmem>>)
    %get3A = arith.constant 1 : i32
    %get3A_43 = arith.index_cast %get3A : i32 to index
    %get3A_44 = arith.constant 0 : index
    %get3A_45 = tpu.vector_load %arg10[%get3A_43, %get3A_44] {strides = array<i32>} : memref<2x64xi32, #tpu.memory_space<vmem>>, vector<16xi32>,
    tpu.vector_store_idx %arg17[%get3A_45], %broadcast_in_dim3A_3 {add = true} : memref<10240xf32, #tpu.memory_space<vmem>>[vector<16xi32>], vector<16xf32>,
    %get3A_46 = arith.constant 1 : i32
    %get3A_47 = arith.index_cast %get3A_46 : i32 to index
    %get3A_48 = arith.constant 16 : index
    %get3A_49 = tpu.vector_load %arg10[%get3A_47, %get3A_48] {strides = array<i32>} : memref<2x64xi32, #tpu.memory_space<vmem>>, vector<16xi32>,
    tpu.vector_store_idx %arg17[%get3A_49], %broadcast_in_dim3A_3 {add = true} : memref<10240xf32, #tpu.memory_space<vmem>>[vector<16xi32>], vector<16xf32>,
    %get3A_50 = arith.constant 1 : i32
    %get3A_51 = arith.index_cast %get3A_50 : i32 to index
    %get3A_52 = arith.constant 32 : index
    %get3A_53 = tpu.vector_load %arg10[%get3A_51, %get3A_52] {strides = array<i32>} : memref<2x64xi32, #tpu.memory_space<vmem>>, vector<16xi32>,
    tpu.vector_store_idx %arg17[%get3A_53], %broadcast_in_dim3A_3 {add = true} : memref<10240xf32, #tpu.memory_space<vmem>>[vector<16xi32>], vector<16xf32>,
    %get3A_54 = arith.constant 1 : i32
    %get3A_55 = arith.index_cast %get3A_54 : i32 to index
    %get3A_56 = arith.constant 48 : index
    %get3A_57 = tpu.vector_load %arg10[%get3A_55, %get3A_56] {strides = array<i32>} : memref<2x64xi32, #tpu.memory_space<vmem>>, vector<16xi32>,
    tpu.vector_store_idx %arg17[%get3A_57], %broadcast_in_dim3A_3 {add = true} : memref<10240xf32, #tpu.memory_space<vmem>>[vector<16xi32>], vector<16xf32>,
    %dma_start3A_58 = arith.constant 1 : i32
    %dma_start3A_59 = arith.constant 0 : i32
    %dma_start3A_60 = tpu.memref_slice %arg10[%dma_start3A_58, %dma_start3A_59] : memref<2x64xi32, #tpu.memory_space<vmem>> -> memref<1x64xi32, #tpu.memory_space<vmem>>
    %dma_start3A_61 = tpu.memref_squeeze %dma_start3A_60 : memref<1x64xi32, #tpu.memory_space<vmem>> -> memref<64xi32, #tpu.memory_space<vmem>>
    %dma_start3A_62 = arith.constant 0 : i32
    %dma_start3A_63 = arith.constant 0 : i32
    %dma_start3A_64 = tpu.memref_slice %arg9[%dma_start3A_62, %dma_start3A_63] : memref<10240x128xf32, #tpu.memory_space<vmem_shared>> -> memref<10240x128xf32, #tpu.memory_space<vmem_shared>>
    tpu.enqueue_indirect_dma source(%arg14 : memref<64x128xf32, #tpu.memory_space<vmem>>) target(%dma_start3A_64 : memref<10240x128xf32, #tpu.memory_space<vmem_shared>>) offsets(%dma_start3A_61 : memref<64xi32, #tpu.memory_space<vmem>>) semaphore(%arg20 : memref<!tpu.dma_semaphore, #tpu.memory_space<semaphore_mem>>) {add = true}
    %dma_wait3A_65 = arith.constant 0 : i32
    %dma_wait3A_66 = arith.constant 0 : i32
    %dma_wait3A_67 = tpu.memref_slice %arg11[%dma_wait3A_65, %dma_wait3A_66] : memref<2x64xi32, #tpu.memory_space<vmem>> -> memref<1x64xi32, #tpu.memory_space<vmem>>
    %dma_wait3A_68 = tpu.memref_squeeze %dma_wait3A_67 : memref<1x64xi32, #tpu.memory_space<vmem>> -> memref<64xi32, #tpu.memory_space<vmem>>
    %dma_wait3A_69 = arith.constant 0 : i32
    %dma_wait3A_70 = arith.constant 0 : i32
    %dma_wait3A_71 = tpu.memref_slice %arg2[%dma_wait3A_69, %dma_wait3A_70] : memref<10000x128xf32, #tpu.memory_space<hbm>> -> memref<10000x128xf32, #tpu.memory_space<hbm>>
    tpu.wait_indirect_dma semaphore(%arg19 : memref<!tpu.dma_semaphore, #tpu.memory_space<semaphore_mem>>) src(%dma_wait3A_71 : memref<10000x128xf32, #tpu.memory_space<hbm>>) dst(%arg15 : memref<64x128xf32, #tpu.memory_space<vmem>>)
    %get3A_72 = arith.constant 1 : i32
    %get3A_73 = arith.index_cast %get3A_72 : i32 to index
    %get3A_74 = arith.constant 0 : index
    %get3A_75 = tpu.vector_load %arg11[%get3A_73, %get3A_74] {strides = array<i32>} : memref<2x64xi32, #tpu.memory_space<vmem>>, vector<16xi32>,
    tpu.vector_store_idx %arg17[%get3A_75], %broadcast_in_dim3A_3 {add = true} : memref<10240xf32, #tpu.memory_space<vmem>>[vector<16xi32>], vector<16xf32>,
    %get3A_76 = arith.constant 1 : i32
    %get3A_77 = arith.index_cast %get3A_76 : i32 to index
    %get3A_78 = arith.constant 16 : index
    %get3A_79 = tpu.vector_load %arg11[%get3A_77, %get3A_78] {strides = array<i32>} : memref<2x64xi32, #tpu.memory_space<vmem>>, vector<16xi32>,
    tpu.vector_store_idx %arg17[%get3A_79], %broadcast_in_dim3A_3 {add = true} : memref<10240xf32, #tpu.memory_space<vmem>>[vector<16xi32>], vector<16xf32>,
    %get3A_80 = arith.constant 1 : i32
    %get3A_81 = arith.index_cast %get3A_80 : i32 to index
    %get3A_82 = arith.constant 32 : index
    %get3A_83 = tpu.vector_load %arg11[%get3A_81, %get3A_82] {strides = array<i32>} : memref<2x64xi32, #tpu.memory_space<vmem>>, vector<16xi32>,
    tpu.vector_store_idx %arg17[%get3A_83], %broadcast_in_dim3A_3 {add = true} : memref<10240xf32, #tpu.memory_space<vmem>>[vector<16xi32>], vector<16xf32>,
    %get3A_84 = arith.constant 1 : i32
    %get3A_85 = arith.index_cast %get3A_84 : i32 to index
    %get3A_86 = arith.constant 48 : index
    %get3A_87 = tpu.vector_load %arg11[%get3A_85, %get3A_86] {strides = array<i32>} : memref<2x64xi32, #tpu.memory_space<vmem>>, vector<16xi32>,
    tpu.vector_store_idx %arg17[%get3A_87], %broadcast_in_dim3A_3 {add = true} : memref<10240xf32, #tpu.memory_space<vmem>>[vector<16xi32>], vector<16xf32>,
    %dma_start3A_88 = arith.constant 1 : i32
    %dma_start3A_89 = arith.constant 0 : i32
    %dma_start3A_90 = tpu.memref_slice %arg11[%dma_start3A_88, %dma_start3A_89] : memref<2x64xi32, #tpu.memory_space<vmem>> -> memref<1x64xi32, #tpu.memory_space<vmem>>
    %dma_start3A_91 = tpu.memref_squeeze %dma_start3A_90 : memref<1x64xi32, #tpu.memory_space<vmem>> -> memref<64xi32, #tpu.memory_space<vmem>>
    %dma_start3A_92 = arith.constant 0 : i32
    %dma_start3A_93 = arith.constant 0 : i32
    %dma_start3A_94 = tpu.memref_slice %arg9[%dma_start3A_92, %dma_start3A_93] : memref<10240x128xf32, #tpu.memory_space<vmem_shared>> -> memref<10240x128xf32, #tpu.memory_space<vmem_shared>>
    tpu.enqueue_indirect_dma source(%arg15 : memref<64x128xf32, #tpu.memory_space<vmem>>) target(%dma_start3A_94 : memref<10240x128xf32, #tpu.memory_space<vmem_shared>>) offsets(%dma_start3A_91 : memref<64xi32, #tpu.memory_space<vmem>>) semaphore(%arg21 : memref<!tpu.dma_semaphore, #tpu.memory_space<semaphore_mem>>) {add = true}
    %scan3A_95 = arith.constant 0 : i32
    %scan3A_96 = arith.constant 78 : i32
    %scan3A_97 = arith.addi %scan3A_95, %scan3A_96 : i32
    %scan3A_98 = arith.constant 1 : i32
    scf.for %scan3A_180 = %scan3A_95 to %scan3A_97 step %scan3A_98  : i32 {
      %mul3A_181 = arith.constant 1 : i32
      %mul3A_182 = arith.muli %scan3A_180, %mul3A_181 : i32
      %add3A_183 = arith.constant 1 : i32
      %add3A_184 = arith.addi %add3A_183, %mul3A_182 : i32
      %dma_wait3A_185 = arith.constant 1 : i32
      %dma_wait3A_186 = arith.constant 0 : i32
      %dma_wait3A_187 = tpu.memref_slice %arg10[%dma_wait3A_185, %dma_wait3A_186] : memref<2x64xi32, #tpu.memory_space<vmem>> -> memref<1x64xi32, #tpu.memory_space<vmem>>
      %dma_wait3A_188 = tpu.memref_squeeze %dma_wait3A_187 : memref<1x64xi32, #tpu.memory_space<vmem>> -> memref<64xi32, #tpu.memory_space<vmem>>
      %dma_wait3A_189 = arith.constant 0 : i32
      %dma_wait3A_190 = arith.constant 0 : i32
      %dma_wait3A_191 = tpu.memref_slice %arg9[%dma_wait3A_189, %dma_wait3A_190] : memref<10240x128xf32, #tpu.memory_space<vmem_shared>> -> memref<10240x128xf32, #tpu.memory_space<vmem_shared>>
      tpu.wait_indirect_dma semaphore(%arg20 : memref<!tpu.dma_semaphore, #tpu.memory_space<semaphore_mem>>) src(%arg14 : memref<64x128xf32, #tpu.memory_space<vmem>>) dst(%dma_wait3A_191 : memref<10240x128xf32, #tpu.memory_space<vmem_shared>>)
      %mul3A_192 = arith.constant 2 : i32
      %mul3A_193 = arith.muli %mul3A_192, %add3A_184 : i32
      %mul3A_194 = arith.constant 32 : i32
      %mul3A_195 = arith.muli %mul3A_193, %mul3A_194 : i32
      %add3A_196 = arith.addi %add3A, %mul3A_195 : i32
      %dma_start3A_197 = arith.constant 0 : i32
      %dma_start3A_198 = arith.constant 0 : i32
      %dma_start3A_199 = tpu.memref_slice %arg3[%add3A_196, %dma_start3A_197, %dma_start3A_198] : memref<5056x2x64xi32, #tpu.memory_space<hbm>> -> memref<1x2x64xi32, #tpu.memory_space<hbm>>
      %dma_start3A_200 = tpu.memref_squeeze %dma_start3A_199 : memref<1x2x64xi32, #tpu.memory_space<hbm>> -> memref<2x64xi32, #tpu.memory_space<hbm>>
      %dma_start3A_201 = arith.constant 0 : i32
      %dma_start3A_202 = arith.constant 0 : i32
      %dma_start3A_203 = tpu.memref_slice %arg3[%add3A_196, %dma_start3A_201, %dma_start3A_202] : memref<5056x2x64xi32, #tpu.memory_space<hbm>> -> memref<1x2x64xi32, #tpu.memory_space<hbm>>
      %dma_start3A_204 = tpu.memref_squeeze %dma_start3A_203 : memref<1x2x64xi32, #tpu.memory_space<hbm>> -> memref<2x64xi32, #tpu.memory_space<hbm>>
      tpu.enqueue_dma source(%dma_start3A_204 : memref<2x64xi32, #tpu.memory_space<hbm>>) target(%arg10 : memref<2x64xi32, #tpu.memory_space<vmem>>) target_semaphore(%arg22 : memref<!tpu.dma_semaphore, #tpu.memory_space<semaphore_mem>>)
      %dma_wait3A_205 = arith.constant 1 : i32
      %dma_wait3A_206 = arith.constant 0 : i32
      %dma_wait3A_207 = tpu.memref_slice %arg11[%dma_wait3A_205, %dma_wait3A_206] : memref<2x64xi32, #tpu.memory_space<vmem>> -> memref<1x64xi32, #tpu.memory_space<vmem>>
      %dma_wait3A_208 = tpu.memref_squeeze %dma_wait3A_207 : memref<1x64xi32, #tpu.memory_space<vmem>> -> memref<64xi32, #tpu.memory_space<vmem>>
      %dma_wait3A_209 = arith.constant 0 : i32
      %dma_wait3A_210 = arith.constant 0 : i32
      %dma_wait3A_211 = tpu.memref_slice %arg9[%dma_wait3A_209, %dma_wait3A_210] : memref<10240x128xf32, #tpu.memory_space<vmem_shared>> -> memref<10240x128xf32, #tpu.memory_space<vmem_shared>>
      tpu.wait_indirect_dma semaphore(%arg21 : memref<!tpu.dma_semaphore, #tpu.memory_space<semaphore_mem>>) src(%arg15 : memref<64x128xf32, #tpu.memory_space<vmem>>) dst(%dma_wait3A_211 : memref<10240x128xf32, #tpu.memory_space<vmem_shared>>)
      %mul3A_212 = arith.constant 2 : i32
      %mul3A_213 = arith.muli %mul3A_212, %add3A_184 : i32
      %add3A_214 = arith.constant 1 : i32
      %add3A_215 = arith.addi %mul3A_213, %add3A_214 : i32
      %mul3A_216 = arith.constant 32 : i32
      %mul3A_217 = arith.muli %add3A_215, %mul3A_216 : i32
      %add3A_218 = arith.addi %add3A, %mul3A_217 : i32
      %dma_start3A_219 = arith.constant 0 : i32
      %dma_start3A_220 = arith.constant 0 : i32
      %dma_start3A_221 = tpu.memref_slice %arg3[%add3A_218, %dma_start3A_219, %dma_start3A_220] : memref<5056x2x64xi32, #tpu.memory_space<hbm>> -> memref<1x2x64xi32, #tpu.memory_space<hbm>>
      %dma_start3A_222 = tpu.memref_squeeze %dma_start3A_221 : memref<1x2x64xi32, #tpu.memory_space<hbm>> -> memref<2x64xi32, #tpu.memory_space<hbm>>
      %dma_start3A_223 = arith.constant 0 : i32
      %dma_start3A_224 = arith.constant 0 : i32
      %dma_start3A_225 = tpu.memref_slice %arg3[%add3A_218, %dma_start3A_223, %dma_start3A_224] : memref<5056x2x64xi32, #tpu.memory_space<hbm>> -> memref<1x2x64xi32, #tpu.memory_space<hbm>>
      %dma_start3A_226 = tpu.memref_squeeze %dma_start3A_225 : memref<1x2x64xi32, #tpu.memory_space<hbm>> -> memref<2x64xi32, #tpu.memory_space<hbm>>
      tpu.enqueue_dma source(%dma_start3A_226 : memref<2x64xi32, #tpu.memory_space<hbm>>) target(%arg11 : memref<2x64xi32, #tpu.memory_space<vmem>>) target_semaphore(%arg23 : memref<!tpu.dma_semaphore, #tpu.memory_space<semaphore_mem>>)
      %mul3A_227 = arith.constant 2 : i32
      %mul3A_228 = arith.muli %mul3A_227, %add3A_184 : i32
      %mul3A_229 = arith.constant 32 : i32
      %mul3A_230 = arith.muli %mul3A_228, %mul3A_229 : i32
      %add3A_231 = arith.addi %add3A, %mul3A_230 : i32
      %dma_wait3A_232 = arith.constant 0 : i32
      %dma_wait3A_233 = arith.constant 0 : i32
      %dma_wait3A_234 = tpu.memref_slice %arg3[%add3A_231, %dma_wait3A_232, %dma_wait3A_233] : memref<5056x2x64xi32, #tpu.memory_space<hbm>> -> memref<1x2x64xi32, #tpu.memory_space<hbm>>
      %dma_wait3A_235 = tpu.memref_squeeze %dma_wait3A_234 : memref<1x2x64xi32, #tpu.memory_space<hbm>> -> memref<2x64xi32, #tpu.memory_space<hbm>>
      %dma_wait3A_236 = arith.constant 0 : i32
      %dma_wait3A_237 = arith.constant 0 : i32
      %dma_wait3A_238 = tpu.memref_slice %arg3[%add3A_231, %dma_wait3A_236, %dma_wait3A_237] : memref<5056x2x64xi32, #tpu.memory_space<hbm>> -> memref<1x2x64xi32, #tpu.memory_space<hbm>>
      %dma_wait3A_239 = tpu.memref_squeeze %dma_wait3A_238 : memref<1x2x64xi32, #tpu.memory_space<hbm>> -> memref<2x64xi32, #tpu.memory_space<hbm>>
      tpu.wait_dma2 semaphore(%arg22 : memref<!tpu.dma_semaphore, #tpu.memory_space<semaphore_mem>>) src(%dma_wait3A_239 : memref<2x64xi32, #tpu.memory_space<hbm>>) dst(%arg10 : memref<2x64xi32, #tpu.memory_space<vmem>>)
      %dma_start3A_240 = arith.constant 0 : i32
      %dma_start3A_241 = arith.constant 0 : i32
      %dma_start3A_242 = tpu.memref_slice %arg10[%dma_start3A_240, %dma_start3A_241] : memref<2x64xi32, #tpu.memory_space<vmem>> -> memref<1x64xi32, #tpu.memory_space<vmem>>
      %dma_start3A_243 = tpu.memref_squeeze %dma_start3A_242 : memref<1x64xi32, #tpu.memory_space<vmem>> -> memref<64xi32, #tpu.memory_space<vmem>>
      %dma_start3A_244 = arith.constant 0 : i32
      %dma_start3A_245 = arith.constant 0 : i32
      %dma_start3A_246 = tpu.memref_slice %arg2[%dma_start3A_244, %dma_start3A_245] : memref<10000x128xf32, #tpu.memory_space<hbm>> -> memref<10000x128xf32, #tpu.memory_space<hbm>>
      tpu.enqueue_indirect_dma source(%dma_start3A_246 : memref<10000x128xf32, #tpu.memory_space<hbm>>) target(%arg14 : memref<64x128xf32, #tpu.memory_space<vmem>>) offsets(%dma_start3A_243 : memref<64xi32, #tpu.memory_space<vmem>>) semaphore(%arg18 : memref<!tpu.dma_semaphore, #tpu.memory_space<semaphore_mem>>)
      %mul3A_247 = arith.constant 2 : i32
      %mul3A_248 = arith.muli %mul3A_247, %add3A_184 : i32
      %add3A_249 = arith.constant 1 : i32
      %add3A_250 = arith.addi %mul3A_248, %add3A_249 : i32
      %mul3A_251 = arith.constant 32 : i32
      %mul3A_252 = arith.muli %add3A_250, %mul3A_251 : i32
      %add3A_253 = arith.addi %add3A, %mul3A_252 : i32
      %dma_wait3A_254 = arith.constant 0 : i32
      %dma_wait3A_255 = arith.constant 0 : i32
      %dma_wait3A_256 = tpu.memref_slice %arg3[%add3A_253, %dma_wait3A_254, %dma_wait3A_255] : memref<5056x2x64xi32, #tpu.memory_space<hbm>> -> memref<1x2x64xi32, #tpu.memory_space<hbm>>
      %dma_wait3A_257 = tpu.memref_squeeze %dma_wait3A_256 : memref<1x2x64xi32, #tpu.memory_space<hbm>> -> memref<2x64xi32, #tpu.memory_space<hbm>>
      %dma_wait3A_258 = arith.constant 0 : i32
      %dma_wait3A_259 = arith.constant 0 : i32
      %dma_wait3A_260 = tpu.memref_slice %arg3[%add3A_253, %dma_wait3A_258, %dma_wait3A_259] : memref<5056x2x64xi32, #tpu.memory_space<hbm>> -> memref<1x2x64xi32, #tpu.memory_space<hbm>>
      %dma_wait3A_261 = tpu.memref_squeeze %dma_wait3A_260 : memref<1x2x64xi32, #tpu.memory_space<hbm>> -> memref<2x64xi32, #tpu.memory_space<hbm>>
      tpu.wait_dma2 semaphore(%arg23 : memref<!tpu.dma_semaphore, #tpu.memory_space<semaphore_mem>>) src(%dma_wait3A_261 : memref<2x64xi32, #tpu.memory_space<hbm>>) dst(%arg11 : memref<2x64xi32, #tpu.memory_space<vmem>>)
      %dma_start3A_262 = arith.constant 0 : i32
      %dma_start3A_263 = arith.constant 0 : i32
      %dma_start3A_264 = tpu.memref_slice %arg11[%dma_start3A_262, %dma_start3A_263] : memref<2x64xi32, #tpu.memory_space<vmem>> -> memref<1x64xi32, #tpu.memory_space<vmem>>
      %dma_start3A_265 = tpu.memref_squeeze %dma_start3A_264 : memref<1x64xi32, #tpu.memory_space<vmem>> -> memref<64xi32, #tpu.memory_space<vmem>>
      %dma_start3A_266 = arith.constant 0 : i32
      %dma_start3A_267 = arith.constant 0 : i32
      %dma_start3A_268 = tpu.memref_slice %arg2[%dma_start3A_266, %dma_start3A_267] : memref<10000x128xf32, #tpu.memory_space<hbm>> -> memref<10000x128xf32, #tpu.memory_space<hbm>>
      tpu.enqueue_indirect_dma source(%dma_start3A_268 : memref<10000x128xf32, #tpu.memory_space<hbm>>) target(%arg15 : memref<64x128xf32, #tpu.memory_space<vmem>>) offsets(%dma_start3A_265 : memref<64xi32, #tpu.memory_space<vmem>>) semaphore(%arg19 : memref<!tpu.dma_semaphore, #tpu.memory_space<semaphore_mem>>)
      %dma_wait3A_269 = arith.constant 0 : i32
      %dma_wait3A_270 = arith.constant 0 : i32
      %dma_wait3A_271 = tpu.memref_slice %arg10[%dma_wait3A_269, %dma_wait3A_270] : memref<2x64xi32, #tpu.memory_space<vmem>> -> memref<1x64xi32, #tpu.memory_space<vmem>>
      %dma_wait3A_272 = tpu.memref_squeeze %dma_wait3A_271 : memref<1x64xi32, #tpu.memory_space<vmem>> -> memref<64xi32, #tpu.memory_space<vmem>>
      %dma_wait3A_273 = arith.constant 0 : i32
      %dma_wait3A_274 = arith.constant 0 : i32
      %dma_wait3A_275 = tpu.memref_slice %arg2[%dma_wait3A_273, %dma_wait3A_274] : memref<10000x128xf32, #tpu.memory_space<hbm>> -> memref<10000x128xf32, #tpu.memory_space<hbm>>
      tpu.wait_indirect_dma semaphore(%arg18 : memref<!tpu.dma_semaphore, #tpu.memory_space<semaphore_mem>>) src(%dma_wait3A_275 : memref<10000x128xf32, #tpu.memory_space<hbm>>) dst(%arg14 : memref<64x128xf32, #tpu.memory_space<vmem>>)
      %get3A_276 = arith.constant 1 : i32
      %get3A_277 = arith.index_cast %get3A_276 : i32 to index
      %get3A_278 = arith.constant 0 : index
      %get3A_279 = tpu.vector_load %arg10[%get3A_277, %get3A_278] {strides = array<i32>} : memref<2x64xi32, #tpu.memory_space<vmem>>, vector<16xi32>,
      tpu.vector_store_idx %arg17[%get3A_279], %broadcast_in_dim3A_3 {add = true} : memref<10240xf32, #tpu.memory_space<vmem>>[vector<16xi32>], vector<16xf32>,
      %get3A_280 = arith.constant 1 : i32
      %get3A_281 = arith.index_cast %get3A_280 : i32 to index
      %get3A_282 = arith.constant 16 : index
      %get3A_283 = tpu.vector_load %arg10[%get3A_281, %get3A_282] {strides = array<i32>} : memref<2x64xi32, #tpu.memory_space<vmem>>, vector<16xi32>,
      tpu.vector_store_idx %arg17[%get3A_283], %broadcast_in_dim3A_3 {add = true} : memref<10240xf32, #tpu.memory_space<vmem>>[vector<16xi32>], vector<16xf32>,
      %get3A_284 = arith.constant 1 : i32
      %get3A_285 = arith.index_cast %get3A_284 : i32 to index
      %get3A_286 = arith.constant 32 : index
      %get3A_287 = tpu.vector_load %arg10[%get3A_285, %get3A_286] {strides = array<i32>} : memref<2x64xi32, #tpu.memory_space<vmem>>, vector<16xi32>,
      tpu.vector_store_idx %arg17[%get3A_287], %broadcast_in_dim3A_3 {add = true} : memref<10240xf32, #tpu.memory_space<vmem>>[vector<16xi32>], vector<16xf32>,
      %get3A_288 = arith.constant 1 : i32
      %get3A_289 = arith.index_cast %get3A_288 : i32 to index
      %get3A_290 = arith.constant 48 : index
      %get3A_291 = tpu.vector_load %arg10[%get3A_289, %get3A_290] {strides = array<i32>} : memref<2x64xi32, #tpu.memory_space<vmem>>, vector<16xi32>,
      tpu.vector_store_idx %arg17[%get3A_291], %broadcast_in_dim3A_3 {add = true} : memref<10240xf32, #tpu.memory_space<vmem>>[vector<16xi32>], vector<16xf32>,
      %dma_start3A_292 = arith.constant 1 : i32
      %dma_start3A_293 = arith.constant 0 : i32
      %dma_start3A_294 = tpu.memref_slice %arg10[%dma_start3A_292, %dma_start3A_293] : memref<2x64xi32, #tpu.memory_space<vmem>> -> memref<1x64xi32, #tpu.memory_space<vmem>>
      %dma_start3A_295 = tpu.memref_squeeze %dma_start3A_294 : memref<1x64xi32, #tpu.memory_space<vmem>> -> memref<64xi32, #tpu.memory_space<vmem>>
      %dma_start3A_296 = arith.constant 0 : i32
      %dma_start3A_297 = arith.constant 0 : i32
      %dma_start3A_298 = tpu.memref_slice %arg9[%dma_start3A_296, %dma_start3A_297] : memref<10240x128xf32, #tpu.memory_space<vmem_shared>> -> memref<10240x128xf32, #tpu.memory_space<vmem_shared>>
      tpu.enqueue_indirect_dma source(%arg14 : memref<64x128xf32, #tpu.memory_space<vmem>>) target(%dma_start3A_298 : memref<10240x128xf32, #tpu.memory_space<vmem_shared>>) offsets(%dma_start3A_295 : memref<64xi32, #tpu.memory_space<vmem>>) semaphore(%arg20 : memref<!tpu.dma_semaphore, #tpu.memory_space<semaphore_mem>>) {add = true}
      %dma_wait3A_299 = arith.constant 0 : i32
      %dma_wait3A_300 = arith.constant 0 : i32
      %dma_wait3A_301 = tpu.memref_slice %arg11[%dma_wait3A_299, %dma_wait3A_300] : memref<2x64xi32, #tpu.memory_space<vmem>> -> memref<1x64xi32, #tpu.memory_space<vmem>>
      %dma_wait3A_302 = tpu.memref_squeeze %dma_wait3A_301 : memref<1x64xi32, #tpu.memory_space<vmem>> -> memref<64xi32, #tpu.memory_space<vmem>>
      %dma_wait3A_303 = arith.constant 0 : i32
      %dma_wait3A_304 = arith.constant 0 : i32
      %dma_wait3A_305 = tpu.memref_slice %arg2[%dma_wait3A_303, %dma_wait3A_304] : memref<10000x128xf32, #tpu.memory_space<hbm>> -> memref<10000x128xf32, #tpu.memory_space<hbm>>
      tpu.wait_indirect_dma semaphore(%arg19 : memref<!tpu.dma_semaphore, #tpu.memory_space<semaphore_mem>>) src(%dma_wait3A_305 : memref<10000x128xf32, #tpu.memory_space<hbm>>) dst(%arg15 : memref<64x128xf32, #tpu.memory_space<vmem>>)
      %get3A_306 = arith.constant 1 : i32
      %get3A_307 = arith.index_cast %get3A_306 : i32 to index
      %get3A_308 = arith.constant 0 : index
      %get3A_309 = tpu.vector_load %arg11[%get3A_307, %get3A_308] {strides = array<i32>} : memref<2x64xi32, #tpu.memory_space<vmem>>, vector<16xi32>,
      tpu.vector_store_idx %arg17[%get3A_309], %broadcast_in_dim3A_3 {add = true} : memref<10240xf32, #tpu.memory_space<vmem>>[vector<16xi32>], vector<16xf32>,
      %get3A_310 = arith.constant 1 : i32
      %get3A_311 = arith.index_cast %get3A_310 : i32 to index
      %get3A_312 = arith.constant 16 : index
      %get3A_313 = tpu.vector_load %arg11[%get3A_311, %get3A_312] {strides = array<i32>} : memref<2x64xi32, #tpu.memory_space<vmem>>, vector<16xi32>,
      tpu.vector_store_idx %arg17[%get3A_313], %broadcast_in_dim3A_3 {add = true} : memref<10240xf32, #tpu.memory_space<vmem>>[vector<16xi32>], vector<16xf32>,
      %get3A_314 = arith.constant 1 : i32
      %get3A_315 = arith.index_cast %get3A_314 : i32 to index
      %get3A_316 = arith.constant 32 : index
      %get3A_317 = tpu.vector_load %arg11[%get3A_315, %get3A_316] {strides = array<i32>} : memref<2x64xi32, #tpu.memory_space<vmem>>, vector<16xi32>,
      tpu.vector_store_idx %arg17[%get3A_317], %broadcast_in_dim3A_3 {add = true} : memref<10240xf32, #tpu.memory_space<vmem>>[vector<16xi32>], vector<16xf32>,
      %get3A_318 = arith.constant 1 : i32
      %get3A_319 = arith.index_cast %get3A_318 : i32 to index
      %get3A_320 = arith.constant 48 : index
      %get3A_321 = tpu.vector_load %arg11[%get3A_319, %get3A_320] {strides = array<i32>} : memref<2x64xi32, #tpu.memory_space<vmem>>, vector<16xi32>,
      tpu.vector_store_idx %arg17[%get3A_321], %broadcast_in_dim3A_3 {add = true} : memref<10240xf32, #tpu.memory_space<vmem>>[vector<16xi32>], vector<16xf32>,
      %dma_start3A_322 = arith.constant 1 : i32
      %dma_start3A_323 = arith.constant 0 : i32
      %dma_start3A_324 = tpu.memref_slice %arg11[%dma_start3A_322, %dma_start3A_323] : memref<2x64xi32, #tpu.memory_space<vmem>> -> memref<1x64xi32, #tpu.memory_space<vmem>>
      %dma_start3A_325 = tpu.memref_squeeze %dma_start3A_324 : memref<1x64xi32, #tpu.memory_space<vmem>> -> memref<64xi32, #tpu.memory_space<vmem>>
      %dma_start3A_326 = arith.constant 0 : i32
      %dma_start3A_327 = arith.constant 0 : i32
      %dma_start3A_328 = tpu.memref_slice %arg9[%dma_start3A_326, %dma_start3A_327] : memref<10240x128xf32, #tpu.memory_space<vmem_shared>> -> memref<10240x128xf32, #tpu.memory_space<vmem_shared>>
      tpu.enqueue_indirect_dma source(%arg15 : memref<64x128xf32, #tpu.memory_space<vmem>>) target(%dma_start3A_328 : memref<10240x128xf32, #tpu.memory_space<vmem_shared>>) offsets(%dma_start3A_325 : memref<64xi32, #tpu.memory_space<vmem>>) semaphore(%arg21 : memref<!tpu.dma_semaphore, #tpu.memory_space<semaphore_mem>>) {add = true}
    }
    %scan3A_99 = arith.constant 78 : i32
    %dma_wait3A_100 = arith.constant 1 : i32
    %dma_wait3A_101 = arith.constant 0 : i32
    %dma_wait3A_102 = tpu.memref_slice %arg10[%dma_wait3A_100, %dma_wait3A_101] : memref<2x64xi32, #tpu.memory_space<vmem>> -> memref<1x64xi32, #tpu.memory_space<vmem>>
    %dma_wait3A_103 = tpu.memref_squeeze %dma_wait3A_102 : memref<1x64xi32, #tpu.memory_space<vmem>> -> memref<64xi32, #tpu.memory_space<vmem>>
    %dma_wait3A_104 = arith.constant 0 : i32
    %dma_wait3A_105 = arith.constant 0 : i32
    %dma_wait3A_106 = tpu.memref_slice %arg9[%dma_wait3A_104, %dma_wait3A_105] : memref<10240x128xf32, #tpu.memory_space<vmem_shared>> -> memref<10240x128xf32, #tpu.memory_space<vmem_shared>>
    tpu.wait_indirect_dma semaphore(%arg20 : memref<!tpu.dma_semaphore, #tpu.memory_space<semaphore_mem>>) src(%arg14 : memref<64x128xf32, #tpu.memory_space<vmem>>) dst(%dma_wait3A_106 : memref<10240x128xf32, #tpu.memory_space<vmem_shared>>)
    %dma_wait3A_107 = arith.constant 1 : i32
    %dma_wait3A_108 = arith.constant 0 : i32
    %dma_wait3A_109 = tpu.memref_slice %arg11[%dma_wait3A_107, %dma_wait3A_108] : memref<2x64xi32, #tpu.memory_space<vmem>> -> memref<1x64xi32, #tpu.memory_space<vmem>>
    %dma_wait3A_110 = tpu.memref_squeeze %dma_wait3A_109 : memref<1x64xi32, #tpu.memory_space<vmem>> -> memref<64xi32, #tpu.memory_space<vmem>>
    %dma_wait3A_111 = arith.constant 0 : i32
    %dma_wait3A_112 = arith.constant 0 : i32
    %dma_wait3A_113 = tpu.memref_slice %arg9[%dma_wait3A_111, %dma_wait3A_112] : memref<10240x128xf32, #tpu.memory_space<vmem_shared>> -> memref<10240x128xf32, #tpu.memory_space<vmem_shared>>
    tpu.wait_indirect_dma semaphore(%arg21 : memref<!tpu.dma_semaphore, #tpu.memory_space<semaphore_mem>>) src(%arg15 : memref<64x128xf32, #tpu.memory_space<vmem>>) dst(%dma_wait3A_113 : memref<10240x128xf32, #tpu.memory_space<vmem_shared>>)
    %barrier3A_114 = arith.constant 0 : index
    tpu.barrier barrier_id(%barrier3A_114)
    "tpu.region"() ({
      %run_scoped3A = tpu.sem_alloc : memref<!tpu.dma_semaphore, #tpu.memory_space<semaphore_mem>>
      %dma_start3A_180 = arith.constant 0 : i32
      %dma_start3A_181 = tpu.memref_slice %arg8[%arg0, %arg1, %dma_start3A_180] : memref<2x16x10240xf32, #tpu.memory_space<hbm>> -> memref<1x1x10240xf32, #tpu.memory_space<hbm>>
      %dma_start3A_182 = tpu.memref_squeeze %dma_start3A_181 : memref<1x1x10240xf32, #tpu.memory_space<hbm>> -> memref<10240xf32, #tpu.memory_space<hbm>>
      %dma_start3A_183 = arith.constant 0 : i32
      %dma_start3A_184 = tpu.memref_slice %arg8[%arg0, %arg1, %dma_start3A_183] : memref<2x16x10240xf32, #tpu.memory_space<hbm>> -> memref<1x1x10240xf32, #tpu.memory_space<hbm>>
      %dma_start3A_185 = tpu.memref_squeeze %dma_start3A_184 : memref<1x1x10240xf32, #tpu.memory_space<hbm>> -> memref<10240xf32, #tpu.memory_space<hbm>>
      tpu.enqueue_dma source(%arg17 : memref<10240xf32, #tpu.memory_space<vmem>>) target(%dma_start3A_185 : memref<10240xf32, #tpu.memory_space<hbm>>) target_semaphore(%run_scoped3A : memref<!tpu.dma_semaphore, #tpu.memory_space<semaphore_mem>>)
      %dma_wait3A_186 = arith.constant 0 : i32
      %dma_wait3A_187 = tpu.memref_slice %arg8[%arg0, %arg1, %dma_wait3A_186] : memref<2x16x10240xf32, #tpu.memory_space<hbm>> -> memref<1x1x10240xf32, #tpu.memory_space<hbm>>
      %dma_wait3A_188 = tpu.memref_squeeze %dma_wait3A_187 : memref<1x1x10240xf32, #tpu.memory_space<hbm>> -> memref<10240xf32, #tpu.memory_space<hbm>>
      %dma_wait3A_189 = arith.constant 0 : i32
      %dma_wait3A_190 = tpu.memref_slice %arg8[%arg0, %arg1, %dma_wait3A_189] : memref<2x16x10240xf32, #tpu.memory_space<hbm>> -> memref<1x1x10240xf32, #tpu.memory_space<hbm>>
      %dma_wait3A_191 = tpu.memref_squeeze %dma_wait3A_190 : memref<1x1x10240xf32, #tpu.memory_space<hbm>> -> memref<10240xf32, #tpu.memory_space<hbm>>
      tpu.wait_dma2 semaphore(%run_scoped3A : memref<!tpu.dma_semaphore, #tpu.memory_space<semaphore_mem>>) src(%arg17 : memref<10240xf32, #tpu.memory_space<vmem>>) dst(%dma_wait3A_191 : memref<10240xf32, #tpu.memory_space<hbm>>)
      tpu.yield
    }) : () -> ()
    %dma_start3A_115 = arith.constant 0 : i32
    %dma_start3A_116 = arith.constant 0 : i32
    %dma_start3A_117 = tpu.memref_slice %arg13[%dma_start3A_115, %dma_start3A_116] : memref<10x64xi32, #tpu.memory_space<vmem>> -> memref<1x64xi32, #tpu.memory_space<vmem>>
    %dma_start3A_118 = tpu.memref_squeeze %dma_start3A_117 : memref<1x64xi32, #tpu.memory_space<vmem>> -> memref<64xi32, #tpu.memory_space<vmem>>
    %dma_start3A_119 = arith.constant 0 : i32
    %dma_start3A_120 = arith.constant 0 : i32
    %dma_start3A_121 = tpu.memref_slice %arg9[%dma_start3A_119, %dma_start3A_120] : memref<10240x128xf32, #tpu.memory_space<vmem_shared>> -> memref<10240x128xf32, #tpu.memory_space<vmem_shared>>
    tpu.enqueue_indirect_dma source(%dma_start3A_121 : memref<10240x128xf32, #tpu.memory_space<vmem_shared>>) target(%arg14 : memref<64x128xf32, #tpu.memory_space<vmem>>) offsets(%dma_start3A_118 : memref<64xi32, #tpu.memory_space<vmem>>) semaphore(%arg18 : memref<!tpu.dma_semaphore, #tpu.memory_space<semaphore_mem>>)
    %dma_start3A_122 = arith.constant 1 : i32
    %dma_start3A_123 = arith.constant 0 : i32
    %dma_start3A_124 = tpu.memref_slice %arg13[%dma_start3A_122, %dma_start3A_123] : memref<10x64xi32, #tpu.memory_space<vmem>> -> memref<1x64xi32, #tpu.memory_space<vmem>>
    %dma_start3A_125 = tpu.memref_squeeze %dma_start3A_124 : memref<1x64xi32, #tpu.memory_space<vmem>> -> memref<64xi32, #tpu.memory_space<vmem>>
    %dma_start3A_126 = arith.constant 0 : i32
    %dma_start3A_127 = arith.constant 0 : i32
    %dma_start3A_128 = tpu.memref_slice %arg9[%dma_start3A_126, %dma_start3A_127] : memref<10240x128xf32, #tpu.memory_space<vmem_shared>> -> memref<10240x128xf32, #tpu.memory_space<vmem_shared>>
    tpu.enqueue_indirect_dma source(%dma_start3A_128 : memref<10240x128xf32, #tpu.memory_space<vmem_shared>>) target(%arg15 : memref<64x128xf32, #tpu.memory_space<vmem>>) offsets(%dma_start3A_125 : memref<64xi32, #tpu.memory_space<vmem>>) semaphore(%arg19 : memref<!tpu.dma_semaphore, #tpu.memory_space<semaphore_mem>>)
    %dma_wait3A_129 = arith.constant 0 : i32
    %dma_wait3A_130 = arith.constant 0 : i32
    %dma_wait3A_131 = tpu.memref_slice %arg13[%dma_wait3A_129, %dma_wait3A_130] : memref<10x64xi32, #tpu.memory_space<vmem>> -> memref<1x64xi32, #tpu.memory_space<vmem>>
    %dma_wait3A_132 = tpu.memref_squeeze %dma_wait3A_131 : memref<1x64xi32, #tpu.memory_space<vmem>> -> memref<64xi32, #tpu.memory_space<vmem>>
    %dma_wait3A_133 = arith.constant 0 : i32
    %dma_wait3A_134 = arith.constant 0 : i32
    %dma_wait3A_135 = tpu.memref_slice %arg9[%dma_wait3A_133, %dma_wait3A_134] : memref<10240x128xf32, #tpu.memory_space<vmem_shared>> -> memref<10240x128xf32, #tpu.memory_space<vmem_shared>>
    tpu.wait_indirect_dma semaphore(%arg18 : memref<!tpu.dma_semaphore, #tpu.memory_space<semaphore_mem>>) src(%dma_wait3A_135 : memref<10240x128xf32, #tpu.memory_space<vmem_shared>>) dst(%arg14 : memref<64x128xf32, #tpu.memory_space<vmem>>)
    %add3A_136 = arith.constant 0 : i32
    %add3A_137 = arith.addi %mul3A_9, %add3A_136 : i32
    %dma_start3A_138 = arith.constant 0 : i32
    %dma_start3A_139 = tpu.memref_slice %arg7[%arg0, %add3A_137, %dma_start3A_138] : memref<2x10240x128xf32, #tpu.memory_space<hbm>> -> memref<1x64x128xf32, #tpu.memory_space<hbm>>
    %dma_start3A_140 = tpu.memref_squeeze %dma_start3A_139 : memref<1x64x128xf32, #tpu.memory_space<hbm>> -> memref<64x128xf32, #tpu.memory_space<hbm>>
    %dma_start3A_141 = arith.constant 0 : i32
    %dma_start3A_142 = tpu.memref_slice %arg7[%arg0, %add3A_137, %dma_start3A_141] : memref<2x10240x128xf32, #tpu.memory_space<hbm>> -> memref<1x64x128xf32, #tpu.memory_space<hbm>>
    %dma_start3A_143 = tpu.memref_squeeze %dma_start3A_142 : memref<1x64x128xf32, #tpu.memory_space<hbm>> -> memref<64x128xf32, #tpu.memory_space<hbm>>
    tpu.enqueue_dma source(%arg14 : memref<64x128xf32, #tpu.memory_space<vmem>>) target(%dma_start3A_143 : memref<64x128xf32, #tpu.memory_space<hbm>>) target_semaphore(%arg20 : memref<!tpu.dma_semaphore, #tpu.memory_space<semaphore_mem>>)
    %dma_wait3A_144 = arith.constant 1 : i32
    %dma_wait3A_145 = arith.constant 0 : i32
    %dma_wait3A_146 = tpu.memref_slice %arg13[%dma_wait3A_144, %dma_wait3A_145] : memref<10x64xi32, #tpu.memory_space<vmem>> -> memref<1x64xi32, #tpu.memory_space<vmem>>
    %dma_wait3A_147 = tpu.memref_squeeze %dma_wait3A_146 : memref<1x64xi32, #tpu.memory_space<vmem>> -> memref<64xi32, #tpu.memory_space<vmem>>
    %dma_wait3A_148 = arith.constant 0 : i32
    %dma_wait3A_149 = arith.constant 0 : i32
    %dma_wait3A_150 = tpu.memref_slice %arg9[%dma_wait3A_148, %dma_wait3A_149] : memref<10240x128xf32, #tpu.memory_space<vmem_shared>> -> memref<10240x128xf32, #tpu.memory_space<vmem_shared>>
    tpu.wait_indirect_dma semaphore(%arg19 : memref<!tpu.dma_semaphore, #tpu.memory_space<semaphore_mem>>) src(%dma_wait3A_150 : memref<10240x128xf32, #tpu.memory_space<vmem_shared>>) dst(%arg15 : memref<64x128xf32, #tpu.memory_space<vmem>>)
    %add3A_151 = arith.constant 64 : i32
    %add3A_152 = arith.addi %mul3A_9, %add3A_151 : i32
    %dma_start3A_153 = arith.constant 0 : i32
    %dma_start3A_154 = tpu.memref_slice %arg7[%arg0, %add3A_152, %dma_start3A_153] : memref<2x10240x128xf32, #tpu.memory_space<hbm>> -> memref<1x64x128xf32, #tpu.memory_space<hbm>>
    %dma_start3A_155 = tpu.memref_squeeze %dma_start3A_154 : memref<1x64x128xf32, #tpu.memory_space<hbm>> -> memref<64x128xf32, #tpu.memory_space<hbm>>
    %dma_start3A_156 = arith.constant 0 : i32
    %dma_start3A_157 = tpu.memref_slice %arg7[%arg0, %add3A_152, %dma_start3A_156] : memref<2x10240x128xf32, #tpu.memory_space<hbm>> -> memref<1x64x128xf32, #tpu.memory_space<hbm>>
    %dma_start3A_158 = tpu.memref_squeeze %dma_start3A_157 : memref<1x64x128xf32, #tpu.memory_space<hbm>> -> memref<64x128xf32, #tpu.memory_space<hbm>>
    tpu.enqueue_dma source(%arg15 : memref<64x128xf32, #tpu.memory_space<vmem>>) target(%dma_start3A_158 : memref<64x128xf32, #tpu.memory_space<hbm>>) target_semaphore(%arg21 : memref<!tpu.dma_semaphore, #tpu.memory_space<semaphore_mem>>)
    %scan3A_159 = arith.constant 0 : i32
    %scan3A_160 = arith.constant 4 : i32
    %scan3A_161 = arith.addi %scan3A_159, %scan3A_160 : i32
    %scan3A_162 = arith.constant 1 : i32
    scf.for %scan3A_180 = %scan3A_159 to %scan3A_161 step %scan3A_162  : i32 {
      %mul3A_181 = arith.constant 1 : i32
      %mul3A_182 = arith.muli %scan3A_180, %mul3A_181 : i32
      %add3A_183 = arith.constant 1 : i32
      %add3A_184 = arith.addi %add3A_183, %mul3A_182 : i32
      %mul3A_185 = arith.constant 2 : i32
      %mul3A_186 = arith.muli %mul3A_185, %add3A_184 : i32
      %sub3A = arith.constant 2 : i32
      %sub3A_187 = arith.subi %mul3A_186, %sub3A : i32
      %mul3A_188 = arith.constant 64 : i32
      %mul3A_189 = arith.muli %sub3A_187, %mul3A_188 : i32
      %add3A_190 = arith.addi %mul3A_9, %mul3A_189 : i32
      %dma_wait3A_191 = arith.constant 0 : i32
      %dma_wait3A_192 = tpu.memref_slice %arg7[%arg0, %add3A_190, %dma_wait3A_191] : memref<2x10240x128xf32, #tpu.memory_space<hbm>> -> memref<1x64x128xf32, #tpu.memory_space<hbm>>
      %dma_wait3A_193 = tpu.memref_squeeze %dma_wait3A_192 : memref<1x64x128xf32, #tpu.memory_space<hbm>> -> memref<64x128xf32, #tpu.memory_space<hbm>>
      %dma_wait3A_194 = arith.constant 0 : i32
      %dma_wait3A_195 = tpu.memref_slice %arg7[%arg0, %add3A_190, %dma_wait3A_194] : memref<2x10240x128xf32, #tpu.memory_space<hbm>> -> memref<1x64x128xf32, #tpu.memory_space<hbm>>
      %dma_wait3A_196 = tpu.memref_squeeze %dma_wait3A_195 : memref<1x64x128xf32, #tpu.memory_space<hbm>> -> memref<64x128xf32, #tpu.memory_space<hbm>>
      tpu.wait_dma2 semaphore(%arg20 : memref<!tpu.dma_semaphore, #tpu.memory_space<semaphore_mem>>) src(%arg14 : memref<64x128xf32, #tpu.memory_space<vmem>>) dst(%dma_wait3A_196 : memref<64x128xf32, #tpu.memory_space<hbm>>)
      %mul3A_197 = arith.constant 2 : i32
      %mul3A_198 = arith.muli %mul3A_197, %add3A_184 : i32
      %dma_start3A_199 = arith.constant 0 : i32
      %dma_start3A_200 = tpu.memref_slice %arg13[%mul3A_198, %dma_start3A_199] : memref<10x64xi32, #tpu.memory_space<vmem>> -> memref<1x64xi32, #tpu.memory_space<vmem>>
      %dma_start3A_201 = tpu.memref_squeeze %dma_start3A_200 : memref<1x64xi32, #tpu.memory_space<vmem>> -> memref<64xi32, #tpu.memory_space<vmem>>
      %dma_start3A_202 = arith.constant 0 : i32
      %dma_start3A_203 = arith.constant 0 : i32
      %dma_start3A_204 = tpu.memref_slice %arg9[%dma_start3A_202, %dma_start3A_203] : memref<10240x128xf32, #tpu.memory_space<vmem_shared>> -> memref<10240x128xf32, #tpu.memory_space<vmem_shared>>
      tpu.enqueue_indirect_dma source(%dma_start3A_204 : memref<10240x128xf32, #tpu.memory_space<vmem_shared>>) target(%arg14 : memref<64x128xf32, #tpu.memory_space<vmem>>) offsets(%dma_start3A_201 : memref<64xi32, #tpu.memory_space<vmem>>) semaphore(%arg18 : memref<!tpu.dma_semaphore, #tpu.memory_space<semaphore_mem>>)
      %mul3A_205 = arith.constant 2 : i32
      %mul3A_206 = arith.muli %mul3A_205, %add3A_184 : i32
      %sub3A_207 = arith.constant 1 : i32
      %sub3A_208 = arith.subi %mul3A_206, %sub3A_207 : i32
      %mul3A_209 = arith.constant 64 : i32
      %mul3A_210 = arith.muli %sub3A_208, %mul3A_209 : i32
      %add3A_211 = arith.addi %mul3A_9, %mul3A_210 : i32
      %dma_wait3A_212 = arith.constant 0 : i32
      %dma_wait3A_213 = tpu.memref_slice %arg7[%arg0, %add3A_211, %dma_wait3A_212] : memref<2x10240x128xf32, #tpu.memory_space<hbm>> -> memref<1x64x128xf32, #tpu.memory_space<hbm>>
      %dma_wait3A_214 = tpu.memref_squeeze %dma_wait3A_213 : memref<1x64x128xf32, #tpu.memory_space<hbm>> -> memref<64x128xf32, #tpu.memory_space<hbm>>
      %dma_wait3A_215 = arith.constant 0 : i32
      %dma_wait3A_216 = tpu.memref_slice %arg7[%arg0, %add3A_211, %dma_wait3A_215] : memref<2x10240x128xf32, #tpu.memory_space<hbm>> -> memref<1x64x128xf32, #tpu.memory_space<hbm>>
      %dma_wait3A_217 = tpu.memref_squeeze %dma_wait3A_216 : memref<1x64x128xf32, #tpu.memory_space<hbm>> -> memref<64x128xf32, #tpu.memory_space<hbm>>
      tpu.wait_dma2 semaphore(%arg21 : memref<!tpu.dma_semaphore, #tpu.memory_space<semaphore_mem>>) src(%arg15 : memref<64x128xf32, #tpu.memory_space<vmem>>) dst(%dma_wait3A_217 : memref<64x128xf32, #tpu.memory_space<hbm>>)
      %mul3A_218 = arith.constant 2 : i32
      %mul3A_219 = arith.muli %mul3A_218, %add3A_184 : i32
      %add3A_220 = arith.constant 1 : i32
      %add3A_221 = arith.addi %mul3A_219, %add3A_220 : i32
      %dma_start3A_222 = arith.constant 0 : i32
      %dma_start3A_223 = tpu.memref_slice %arg13[%add3A_221, %dma_start3A_222] : memref<10x64xi32, #tpu.memory_space<vmem>> -> memref<1x64xi32, #tpu.memory_space<vmem>>
      %dma_start3A_224 = tpu.memref_squeeze %dma_start3A_223 : memref<1x64xi32, #tpu.memory_space<vmem>> -> memref<64xi32, #tpu.memory_space<vmem>>
      %dma_start3A_225 = arith.constant 0 : i32
      %dma_start3A_226 = arith.constant 0 : i32
      %dma_start3A_227 = tpu.memref_slice %arg9[%dma_start3A_225, %dma_start3A_226] : memref<10240x128xf32, #tpu.memory_space<vmem_shared>> -> memref<10240x128xf32, #tpu.memory_space<vmem_shared>>
      tpu.enqueue_indirect_dma source(%dma_start3A_227 : memref<10240x128xf32, #tpu.memory_space<vmem_shared>>) target(%arg15 : memref<64x128xf32, #tpu.memory_space<vmem>>) offsets(%dma_start3A_224 : memref<64xi32, #tpu.memory_space<vmem>>) semaphore(%arg19 : memref<!tpu.dma_semaphore, #tpu.memory_space<semaphore_mem>>)
      %mul3A_228 = arith.constant 2 : i32
      %mul3A_229 = arith.muli %mul3A_228, %add3A_184 : i32
      %dma_wait3A_230 = arith.constant 0 : i32
      %dma_wait3A_231 = tpu.memref_slice %arg13[%mul3A_229, %dma_wait3A_230] : memref<10x64xi32, #tpu.memory_space<vmem>> -> memref<1x64xi32, #tpu.memory_space<vmem>>
      %dma_wait3A_232 = tpu.memref_squeeze %dma_wait3A_231 : memref<1x64xi32, #tpu.memory_space<vmem>> -> memref<64xi32, #tpu.memory_space<vmem>>
      %dma_wait3A_233 = arith.constant 0 : i32
      %dma_wait3A_234 = arith.constant 0 : i32
      %dma_wait3A_235 = tpu.memref_slice %arg9[%dma_wait3A_233, %dma_wait3A_234] : memref<10240x128xf32, #tpu.memory_space<vmem_shared>> -> memref<10240x128xf32, #tpu.memory_space<vmem_shared>>
      tpu.wait_indirect_dma semaphore(%arg18 : memref<!tpu.dma_semaphore, #tpu.memory_space<semaphore_mem>>) src(%dma_wait3A_235 : memref<10240x128xf32, #tpu.memory_space<vmem_shared>>) dst(%arg14 : memref<64x128xf32, #tpu.memory_space<vmem>>)
      %mul3A_236 = arith.constant 2 : i32
      %mul3A_237 = arith.muli %mul3A_236, %add3A_184 : i32
      %mul3A_238 = arith.constant 64 : i32
      %mul3A_239 = arith.muli %mul3A_237, %mul3A_238 : i32
      %add3A_240 = arith.addi %mul3A_9, %mul3A_239 : i32
      %dma_start3A_241 = arith.constant 0 : i32
      %dma_start3A_242 = tpu.memref_slice %arg7[%arg0, %add3A_240, %dma_start3A_241] : memref<2x10240x128xf32, #tpu.memory_space<hbm>> -> memref<1x64x128xf32, #tpu.memory_space<hbm>>
      %dma_start3A_243 = tpu.memref_squeeze %dma_start3A_242 : memref<1x64x128xf32, #tpu.memory_space<hbm>> -> memref<64x128xf32, #tpu.memory_space<hbm>>
      %dma_start3A_244 = arith.constant 0 : i32
      %dma_start3A_245 = tpu.memref_slice %arg7[%arg0, %add3A_240, %dma_start3A_244] : memref<2x10240x128xf32, #tpu.memory_space<hbm>> -> memref<1x64x128xf32, #tpu.memory_space<hbm>>
      %dma_start3A_246 = tpu.memref_squeeze %dma_start3A_245 : memref<1x64x128xf32, #tpu.memory_space<hbm>> -> memref<64x128xf32, #tpu.memory_space<hbm>>
      tpu.enqueue_dma source(%arg14 : memref<64x128xf32, #tpu.memory_space<vmem>>) target(%dma_start3A_246 : memref<64x128xf32, #tpu.memory_space<hbm>>) target_semaphore(%arg20 : memref<!tpu.dma_semaphore, #tpu.memory_space<semaphore_mem>>)
      %mul3A_247 = arith.constant 2 : i32
      %mul3A_248 = arith.muli %mul3A_247, %add3A_184 : i32
      %add3A_249 = arith.constant 1 : i32
      %add3A_250 = arith.addi %mul3A_248, %add3A_249 : i32
      %dma_wait3A_251 = arith.constant 0 : i32
      %dma_wait3A_252 = tpu.memref_slice %arg13[%add3A_250, %dma_wait3A_251] : memref<10x64xi32, #tpu.memory_space<vmem>> -> memref<1x64xi32, #tpu.memory_space<vmem>>
      %dma_wait3A_253 = tpu.memref_squeeze %dma_wait3A_252 : memref<1x64xi32, #tpu.memory_space<vmem>> -> memref<64xi32, #tpu.memory_space<vmem>>
      %dma_wait3A_254 = arith.constant 0 : i32
      %dma_wait3A_255 = arith.constant 0 : i32
      %dma_wait3A_256 = tpu.memref_slice %arg9[%dma_wait3A_254, %dma_wait3A_255] : memref<10240x128xf32, #tpu.memory_space<vmem_shared>> -> memref<10240x128xf32, #tpu.memory_space<vmem_shared>>
      tpu.wait_indirect_dma semaphore(%arg19 : memref<!tpu.dma_semaphore, #tpu.memory_space<semaphore_mem>>) src(%dma_wait3A_256 : memref<10240x128xf32, #tpu.memory_space<vmem_shared>>) dst(%arg15 : memref<64x128xf32, #tpu.memory_space<vmem>>)
      %mul3A_257 = arith.constant 2 : i32
      %mul3A_258 = arith.muli %mul3A_257, %add3A_184 : i32
      %add3A_259 = arith.constant 1 : i32
      %add3A_260 = arith.addi %mul3A_258, %add3A_259 : i32
      %mul3A_261 = arith.constant 64 : i32
      %mul3A_262 = arith.muli %add3A_260, %mul3A_261 : i32
      %add3A_263 = arith.addi %mul3A_9, %mul3A_262 : i32
      %dma_start3A_264 = arith.constant 0 : i32
      %dma_start3A_265 = tpu.memref_slice %arg7[%arg0, %add3A_263, %dma_start3A_264] : memref<2x10240x128xf32, #tpu.memory_space<hbm>> -> memref<1x64x128xf32, #tpu.memory_space<hbm>>
      %dma_start3A_266 = tpu.memref_squeeze %dma_start3A_265 : memref<1x64x128xf32, #tpu.memory_space<hbm>> -> memref<64x128xf32, #tpu.memory_space<hbm>>
      %dma_start3A_267 = arith.constant 0 : i32
      %dma_start3A_268 = tpu.memref_slice %arg7[%arg0, %add3A_263, %dma_start3A_267] : memref<2x10240x128xf32, #tpu.memory_space<hbm>> -> memref<1x64x128xf32, #tpu.memory_space<hbm>>
      %dma_start3A_269 = tpu.memref_squeeze %dma_start3A_268 : memref<1x64x128xf32, #tpu.memory_space<hbm>> -> memref<64x128xf32, #tpu.memory_space<hbm>>
      tpu.enqueue_dma source(%arg15 : memref<64x128xf32, #tpu.memory_space<vmem>>) target(%dma_start3A_269 : memref<64x128xf32, #tpu.memory_space<hbm>>) target_semaphore(%arg21 : memref<!tpu.dma_semaphore, #tpu.memory_space<semaphore_mem>>)
    }
    %scan3A_163 = arith.constant 4 : i32
    %add3A_164 = arith.constant 512 : i32
    %add3A_165 = arith.addi %mul3A_9, %add3A_164 : i32
    %dma_wait3A_166 = arith.constant 0 : i32
    %dma_wait3A_167 = tpu.memref_slice %arg7[%arg0, %add3A_165, %dma_wait3A_166] : memref<2x10240x128xf32, #tpu.memory_space<hbm>> -> memref<1x64x128xf32, #tpu.memory_space<hbm>>
    %dma_wait3A_168 = tpu.memref_squeeze %dma_wait3A_167 : memref<1x64x128xf32, #tpu.memory_space<hbm>> -> memref<64x128xf32, #tpu.memory_space<hbm>>
    %dma_wait3A_169 = arith.constant 0 : i32
    %dma_wait3A_170 = tpu.memref_slice %arg7[%arg0, %add3A_165, %dma_wait3A_169] : memref<2x10240x128xf32, #tpu.memory_space<hbm>> -> memref<1x64x128xf32, #tpu.memory_space<hbm>>
    %dma_wait3A_171 = tpu.memref_squeeze %dma_wait3A_170 : memref<1x64x128xf32, #tpu.memory_space<hbm>> -> memref<64x128xf32, #tpu.memory_space<hbm>>
    tpu.wait_dma2 semaphore(%arg20 : memref<!tpu.dma_semaphore, #tpu.memory_space<semaphore_mem>>) src(%arg14 : memref<64x128xf32, #tpu.memory_space<vmem>>) dst(%dma_wait3A_171 : memref<64x128xf32, #tpu.memory_space<hbm>>)
    %add3A_172 = arith.constant 576 : i32
    %add3A_173 = arith.addi %mul3A_9, %add3A_172 : i32
    %dma_wait3A_174 = arith.constant 0 : i32
    %dma_wait3A_175 = tpu.memref_slice %arg7[%arg0, %add3A_173, %dma_wait3A_174] : memref<2x10240x128xf32, #tpu.memory_space<hbm>> -> memref<1x64x128xf32, #tpu.memory_space<hbm>>
    %dma_wait3A_176 = tpu.memref_squeeze %dma_wait3A_175 : memref<1x64x128xf32, #tpu.memory_space<hbm>> -> memref<64x128xf32, #tpu.memory_space<hbm>>
    %dma_wait3A_177 = arith.constant 0 : i32
    %dma_wait3A_178 = tpu.memref_slice %arg7[%arg0, %add3A_173, %dma_wait3A_177] : memref<2x10240x128xf32, #tpu.memory_space<hbm>> -> memref<1x64x128xf32, #tpu.memory_space<hbm>>
    %dma_wait3A_179 = tpu.memref_squeeze %dma_wait3A_178 : memref<1x64x128xf32, #tpu.memory_space<hbm>> -> memref<64x128xf32, #tpu.memory_space<hbm>>
    tpu.wait_dma2 semaphore(%arg21 : memref<!tpu.dma_semaphore, #tpu.memory_space<semaphore_mem>>) src(%arg15 : memref<64x128xf32, #tpu.memory_space<vmem>>) dst(%dma_wait3A_179 : memref<64x128xf32, #tpu.memory_space<hbm>>)
    return
  }
}

module attributes {stable_mosaic.version = 14 : i64} {
  func.func @body(%arg0: i32, %arg1: memref<1000x128xf32, #tpu.memory_space<vmem>>, %arg2: memref<1000x128xf32, #tpu.memory_space<vmem>>, %arg3: memref<1000x32xf32, #tpu.memory_space<vmem>>, %arg4: memref<1000x128xf32, #tpu.memory_space<vmem>>, %arg5: memref<128x128xf32, #tpu.memory_space<vmem>>, %arg6: memref<1x128xf32, #tpu.memory_space<vmem>>, %arg7: memref<1000x128xf32, #tpu.memory_space<vmem>>) attributes {dimension_semantics = [#tpu.dimension_semantics<arbitrary>], iteration_bounds = array<i64: 10>, scalar_prefetch = 0 : i64, scratch_operands = 0 : i64, tpu.core_type = #tpu.core_type<tc>, window_params = [{transform_indices = @transform_0, window_bounds = array<i64: 1000, 128>}, {transform_indices = @transform_1, window_bounds = array<i64: 1000, 128>}, {transform_indices = @transform_2, window_bounds = array<i64: 1000, 32>}, {transform_indices = @transform_3, window_bounds = array<i64: 1000, 128>}, {pipeline_mode = #tpu.pipeline_mode<synchronous>, transform_indices = @transform_4, window_bounds = array<i64: 128, 128>}, {pipeline_mode = #tpu.pipeline_mode<synchronous>, transform_indices = @transform_5, window_bounds = array<i64: 1, 128>}, {transform_indices = @transform_6, window_bounds = array<i64: 1000, 128>}]} {
    %get3A = arith.constant 0 : index
    %get3A_0 = arith.constant 0 : index
    %get3A_1 = vector.load %arg1[%get3A, %get3A_0] : memref<1000x128xf32, #tpu.memory_space<vmem>>, vector<1000x128xf32>
    %get3A_2 = arith.constant 0 : index
    %get3A_3 = arith.constant 0 : index
    %get3A_4 = vector.load %arg2[%get3A_2, %get3A_3] : memref<1000x128xf32, #tpu.memory_space<vmem>>, vector<1000x128xf32>
    %add3A = arith.addf %get3A_1, %get3A_4 : vector<1000x128xf32>
    %get3A_5 = arith.constant 0 : index
    %get3A_6 = arith.constant 0 : index
    %get3A_7 = vector.load %arg4[%get3A_5, %get3A_6] : memref<1000x128xf32, #tpu.memory_space<vmem>>, vector<1000x128xf32>
    %mul3A = arith.constant 2.000000e+00 : f32
    %mul3A_8 = vector.broadcast %mul3A : f32 to vector<1000x128xf32>
    %mul3A_9 = arith.mulf %mul3A_8, %get3A_7 : vector<1000x128xf32>
    %add3A_10 = arith.addf %add3A, %mul3A_9 : vector<1000x128xf32>
    %get3A_11 = arith.constant 0 : index
    %get3A_12 = arith.constant 0 : index
    %get3A_13 = vector.load %arg3[%get3A_11, %get3A_12] : memref<1000x32xf32, #tpu.memory_space<vmem>>, vector<1000x32xf32>
    %reduce_sum3A = arith.constant dense<0.000000e+00> : vector<1000xf32>
    %reduce_sum3A_14 = vector.multi_reduction <add>, %get3A_13, %reduce_sum3A [1] : vector<1000x32xf32> to vector<1000xf32>
    %broadcast_in_dim3A = vector.shape_cast %reduce_sum3A_14 : vector<1000xf32> to vector<1000x1xf32>
    %add3A_15 = arith.constant 1.000000e+00 : f32
    %add3A_16 = vector.broadcast %add3A_15 : f32 to vector<1000x1xf32>
    %add3A_17 = arith.addf %broadcast_in_dim3A, %add3A_16 : vector<1000x1xf32>
    %get3A_18 = arith.constant 0 : index
    %get3A_19 = arith.constant 0 : index
    %get3A_20 = vector.load %arg5[%get3A_18, %get3A_19] : memref<128x128xf32, #tpu.memory_space<vmem>>, vector<128x128xf32>
    %dot_general3A = arith.constant dense<0.000000e+00> : vector<1000x128xf32>
    %dot_general3A_21 = tpu.matmul %add3A_10, %get3A_20, %dot_general3A {dimension_numbers = #tpu.dot_dimension_numbers<[1], [0], [0], [1], [0, 0, 1, 1], [], []>, transpose_lhs_hint = false} : vector<1000x128xf32>, vector<128x128xf32>, vector<1000x128xf32> -> vector<1000x128xf32>
    %div3A = vector.broadcast %add3A_17 : vector<1000x1xf32> to vector<1000x128xf32>
    %div3A_22 = arith.divf %dot_general3A_21, %div3A : vector<1000x128xf32>
    %get3A_23 = arith.constant 0 : index
    %get3A_24 = arith.constant 0 : index
    %get3A_25 = vector.load %arg6[%get3A_23, %get3A_24] : memref<1x128xf32, #tpu.memory_space<vmem>>, vector<1x128xf32>
    %div3A_26 = arith.constant 1.000000e+00 : f32
    %div3A_27 = vector.broadcast %div3A_26 : f32 to vector<1000x1xf32>
    %div3A_28 = arith.divf %div3A_27, %add3A_17 : vector<1000x1xf32>
    %add3A_29 = arith.constant 1.000000e+00 : f32
    %add3A_30 = vector.broadcast %add3A_29 : f32 to vector<1000x1xf32>
    %add3A_31 = arith.addf %add3A_30, %div3A_28 : vector<1000x1xf32>
    %mul3A_32 = vector.broadcast %get3A_25 : vector<1x128xf32> to vector<1000x128xf32>
    %mul3A_33 = vector.broadcast %add3A_31 : vector<1000x1xf32> to vector<1000x128xf32>
    %mul3A_34 = arith.mulf %mul3A_32, %mul3A_33 : vector<1000x128xf32>
    %add3A_35 = arith.addf %div3A_22, %mul3A_34 : vector<1000x128xf32>
    %swap3A = arith.constant 0 : index
    %swap3A_36 = arith.constant 0 : index
    %swap3A_37 = vector.load %arg7[%swap3A, %swap3A_36] : memref<1000x128xf32, #tpu.memory_space<vmem>>, vector<1000x128xf32>
    tpu.vector_store %arg7[%swap3A, %swap3A_36], %add3A_35 {strides = array<i32>} : memref<1000x128xf32, #tpu.memory_space<vmem>>, vector<1000x128xf32>,
    return
  }
  func.func @transform_0(%arg0: i32) -> (i32, i32) {
    %c0_i32 = arith.constant 0 : i32
    %c0_i32_0 = arith.constant 0 : i32
    return %arg0, %c0_i32 : i32, i32
  }
  func.func @transform_1(%arg0: i32) -> (i32, i32) {
    %c0_i32 = arith.constant 0 : i32
    %c0_i32_0 = arith.constant 0 : i32
    return %arg0, %c0_i32 : i32, i32
  }
  func.func @transform_2(%arg0: i32) -> (i32, i32) {
    %c0_i32 = arith.constant 0 : i32
    %c0_i32_0 = arith.constant 0 : i32
    return %arg0, %c0_i32 : i32, i32
  }
  func.func @transform_3(%arg0: i32) -> (i32, i32) {
    %c0_i32 = arith.constant 0 : i32
    %c0_i32_0 = arith.constant 0 : i32
    return %arg0, %c0_i32 : i32, i32
  }
  func.func @transform_4(%arg0: i32) -> (i32, i32) {
    %c0_i32 = arith.constant 0 : i32
    %c0_i32_0 = arith.constant 0 : i32
    %c0_i32_1 = arith.constant 0 : i32
    return %c0_i32, %c0_i32_0 : i32, i32
  }
  func.func @transform_5(%arg0: i32) -> (i32, i32) {
    %c0_i32 = arith.constant 0 : i32
    %c0_i32_0 = arith.constant 0 : i32
    %c0_i32_1 = arith.constant 0 : i32
    return %c0_i32, %c0_i32_0 : i32, i32
  }
  func.func @transform_6(%arg0: i32) -> (i32, i32) {
    %c0_i32 = arith.constant 0 : i32
    %c0_i32_0 = arith.constant 0 : i32
    return %arg0, %c0_i32 : i32, i32
  }
}

</mosaic_0001>

<sc_bundles>
// kernel: kernel.4.cloned.1.call-start
scs
__scs_entry_jumppad:
0x0: {  	(pc) =	sbr.rel $0x88, $3  }
0x1: {  	(tag) =	ssettag $0x0;
	lr =	simm.s32 $0x1  }
0x2: {  	[smem:$0x3F9D] =	sst lr;
	_ =	strace $0xD0000000  }
0x3: {  	_ = 	snop  }
0x4: {  	_ = 	snop  }
0x5: {  	_ = 	snop  }
0x6: {  	_ = 	snop  }
0x7: {  	_ = 	snop  }
__scs_overlays_trampoline_lowered:
0x8: {  	[smem:$0x3FAC] =	sst s0  }
0x9: {  	[smem:$0x3FAD] =	sst s1  }
0xa: {  	[smem:$0x3FAE] =	sst s2  }
0xb: {  	[smem:$0x3FAF] =	sst s3  }
0xc: {  	[smem:$0x3FB0] =	sst s4  }
0xd: {  	[smem:$0x3FB1] =	sst s5  }
0xe: {  	[smem:$0x3FB2] =	sst s6  }
0xf: {  	[smem:$0x3FB3] =	sst s7  }
0x10: {  	[smem:$0x3FB4] =	sst s8  }
0x11: {  	[smem:$0x3FB5] =	sst s9;
	s0 =	simm.s32 @!p0 $0x0  }
0x12: {  	s1 =	sld [smem:$0x3F9B];
	s0 =	simm.s32 @p0 $0x1  }
0x13: {  	[smem:$0x3FB6] =	sst s0;
	s0 =	simm.s32 @!p1 $0x0  }
0x14: {  	s2 =	sld [smem:$0x3F9A];
	s0 =	simm.s32 @p1 $0x1  }
0x15: {  	[smem:$0x3FB7] =	sst s0;
	s0 =	simm.s32 @!p2 $0x0  }
0x16: {  	s3 =	sld [smem:$0x3FDB];
	s0 =	simm.s32 @p2 $0x1  }
0x17: {  	s4 =	simm.s32 $0x1BF5;
	[smem:$0x3FB9] =	sst s0  }
0x18: {  	s0 =	sld [smem:$0x3F9C];
	_ =	swait.ge [sflag:s4], $0x0  }
0x19: {  	s7 =	sld [smem:$0x3F9D]  }
0x1a: {  	s8 =	sadd.s32 $0xFFFFE003, lr  }
0x1b: {  	s9 =	sadd.s32 $0xFFFFFEF7, lr;
	s5 =	simm.s32 $0xFFFFFFFF;
	p2 =	slt.u32 s8, $0xFFFFF086  }
0x1c: {  	p1 =	slt.u32 s9, $0xF7A;
	s5 =	simm.s32 @!p2 $0x0  }
0x1d: {  	s5 =	simm.s32 @p1 $0x1;
	p0 =	seq.s32 s7, s2  }
0x1e: {  	s7 =	smul.u32 @!p0 $0xF7A, s2;
	p2 =	seq.s32 @!p0 s5, $0x0  }
0x1f: {  	s9 =	smul.u32 $0xF7A, s1;
	s8 =	simm.s32 @!p0 $0x1BF5;
	p2 =	por !p2, p0  }
0x20: {  	[sflag:s8] =	ssyncset.s32 @!p0 $0xFFFFF086;
	s6 =	sadd.s32 @!p0 s3, s7;
	s7 =	simm.s32 @!p0 $0x108  }
0x21: {  	s3 =	sadd.s32 s3, s9;
	s6 =	sadd.s32 @!p0 $0x88, s6;
	s7 =	simm.s32 @p2 $0x1082  }
0x22: {  	[simem:s7], [sflag:s8] =	dma.local @!p0 [hbm:s6], $0xF7A  }
0x23: {  	s9 =	sor.u32 $0xD0000000, s2;
	s6 =	simm.s32 $0x108;
	_ =	swait.ge @!p0 [sflag:s8], $0x0  }
0x24: {  	s3 =	sadd.s32 $0x88, s3;
	s6 =	simm.s32 @!p1 $0x1082;
	[sflag:s4] =	ssyncset.s32 $0xFFFFF086  }
0x25: {  	[simem:s6], [sflag:s4] =	dma.local [hbm:s3], $0xF7A  }
0x26: {  	[smem:$0x3F9D] =	sst s1;
	(tag) =	ssettag s2;
	_ =	strace s9  }
0x27: {  	s1 =	sld [smem:$0x3FAD]  }
0x28: {  	s2 =	sld [smem:$0x3FAE]  }
0x29: {  	s4 =	sld [smem:$0x3FB0]  }
0x2a: {  	p0 =	seq.s32 s5, $0x0;
	s5 =	sld [smem:$0x3FB1]  }
0x2b: {  	s6 =	sld [smem:$0x3FB2]  }
0x2c: {  	s7 =	sld [smem:$0x3FB3]  }
0x2d: {  	s3 =	simm.s32 $0x108;
	s8 =	sld [smem:$0x3FB4]  }
0x2e: {  	s3 =	simm.s32 @!p0 $0x1082;
	s9 =	sld [smem:$0x3FB5]  }
0x2f: {  	lr =	sadd.s32 s0, s3;
	s0 =	sld [smem:$0x3FAC]  }
0x30: {  	s3 =	sld [smem:$0x3FAF]  }
0x31: {  	[smem:$0x3FB8] =	sst s10  }
0x32: {  	s10 =	sld [smem:$0x3FB6];
	_ =	sdelay $0x3  }
0x33: {  	p0 =	seq.s32 s10, $0x1;
	s10 =	sld [smem:$0x3FB8];
	_ =	sdelay $0x3  }
0x34: {  	[smem:$0x3FB8] =	sst s10  }
0x35: {  	s10 =	sld [smem:$0x3FB7];
	_ =	sdelay $0x3  }
0x36: {  	p1 =	seq.s32 s10, $0x1;
	s10 =	sld [smem:$0x3FB8];
	_ =	sdelay $0x3  }
0x37: {  	[smem:$0x3FB8] =	sst s10  }
0x38: {  	s10 =	sld [smem:$0x3FB9]  }
0x39: {  	_ = 	snop;
	(pc) =	sbr.ind lr, $3  }
0x3a: {  	_ = 	snop  }
0x3b: {  	_ = 	snop  }
0x3c: {  	p2 =	seq.s32 s10, $0x1;
	s10 =	sld [smem:$0x3FB8]  }
0x3d: {  	_ =	shalt  }
0x3e: {  	_ =	shalt  }
0x3f: {  	_ =	shalt  }
0x40: {  	_ =	shalt  }
0x41: {  	_ =	shalt  }
0x42: {  	_ =	shalt  }
0x43: {  	_ =	shalt  }
0x44: {  	_ =	shalt  }
0x45: {  	_ =	shalt  }
0x46: {  	_ =	shalt  }
0x47: {  	_ =	shalt  }
0x48: {  	_ =	shalt  }
0x49: {  	_ =	shalt  }
0x4a: {  	_ =	shalt  }
0x4b: {  	_ =	shalt  }
0x4c: {  	_ =	shalt  }
0x4d: {  	_ =	shalt  }
0x4e: {  	_ =	shalt  }
0x4f: {  	_ =	shalt  }
0x50: {  	_ =	shalt  }
0x51: {  	_ =	shalt  }
0x52: {  	_ =	shalt  }
0x53: {  	_ =	shalt  }
0x54: {  	_ =	shalt  }
0x55: {  	_ =	shalt  }
0x56: {  	_ =	shalt  }
0x57: {  	_ =	shalt  }
0x58: {  	_ =	shalt  }
0x59: {  	_ =	shalt  }
0x5a: {  	_ =	shalt  }
0x5b: {  	_ =	shalt  }
0x5c: {  	_ =	shalt  }
0x5d: {  	_ =	shalt  }
0x5e: {  	_ =	shalt  }
0x5f: {  	_ =	shalt  }
0x60: {  	_ =	shalt  }
0x61: {  	_ =	shalt  }
0x62: {  	_ =	shalt  }
0x63: {  	_ =	shalt  }
0x64: {  	_ =	shalt  }
0x65: {  	_ =	shalt  }
0x66: {  	_ =	shalt  }
0x67: {  	_ =	shalt  }
0x68: {  	_ =	shalt  }
0x69: {  	_ =	shalt  }
0x6a: {  	_ =	shalt  }
0x6b: {  	_ =	shalt  }
0x6c: {  	_ =	shalt  }
0x6d: {  	_ =	shalt  }
0x6e: {  	_ =	shalt  }
0x6f: {  	_ =	shalt  }
0x70: {  	_ =	shalt  }
0x71: {  	_ =	shalt  }
0x72: {  	_ =	shalt  }
0x73: {  	_ =	shalt  }
0x74: {  	_ =	shalt  }
0x75: {  	_ =	shalt  }
0x76: {  	_ =	shalt  }
0x77: {  	_ =	shalt  }
0x78: {  	_ =	shalt  }
0x79: {  	_ =	shalt  }
0x7a: {  	_ =	shalt  }
0x7b: {  	_ =	shalt  }
0x7c: {  	_ =	shalt  }
0x7d: {  	_ =	shalt  }
0x7e: {  	_ =	shalt  }
0x7f: {  	_ =	shalt  }
0x80: {  	_ =	shalt  }
0x81: {  	_ =	shalt  }
0x82: {  	_ =	shalt  }
0x83: {  	_ =	shalt  }
0x84: {  	_ =	shalt  }
0x85: {  	_ =	shalt  }
0x86: {  	_ =	shalt  }
0x87: {  	_ =	shalt  }
.Lfunc_end0:
.L_simem_size_0:
called_computation_lowered:
.L_overlay_start_0:
0x88: {  	s2 =	sld [smem:$0x3FD9]  }
0x89: {  	s3 =	sld [smem:$0x3FFE];
	_ =	sdelay $0x1  }
0x8a: {  	s1 =	srdreg.scid  }
0x8b: {  	s0 =	sand.u32 $0x1, s1  }
0x8c: {  	s17 =	sshll.u32 s0, $0xA;
	s2 =	sadd.s32 s3, s2  }
0x8d: {  	s2 =	sadd.s32 s2, s17  }
0x8e: {  	[smem:$0x3FC4] =	sst s2  }
0x8f: {  	_ = 	snop  }
0x90: {  	s2 =	sld [smem:$0x3FC9]  }
0x91: {  	s18 =	sld [smem:$0x3FD0];
	(tm) =	ssettm $0x1  }
0x92: {  	s4 =	sld [smem:$0x3FFB];
	_ =	sdelay $0x3  }
0x93: {  	_ =	strace s4  }
0x94: {  	s4 =	sld [smem:$0x3FFC];
	_ =	sdelay $0x3  }
0x95: {  	_ =	strace s4  }
0x96: {  	s4 =	sld [smem:$0x3FFD];
	_ =	sdelay $0x3  }
0x97: {  	_ =	strace s4  }
0x98: {  	_ =	strace $0x8FFFFFFF  }
0x99: {  	s19 =	sld [smem:$0x3FDB];
	_ =	sdelay $0x1  }
0x9a: {  	s5 =	simm.s32 $_scs_section_size  }
0x9b: {  	s6 =	simm.s32 $_size__tile_overlayer_lowered;
	s7 =	simm.s32 $_tile_overlayer_lowered  }
0x9c: {  	s22 =	simm.s32 $0x1BFF;
	s21 =	sshll.u32 s7, $0x1;
	s4 =	sadd.s32 s5, s19  }
0x9d: {  	s8 =	simm.s32 $0x0;
	s20 =	sshll.u32 s6, $0x1;
	s6 =	sadd.s32 s21, s4  }
0x9e: {  	[timem:s8], [sflag:s22] =	dma.local [hbm:s6], s20  }
0x9f: {  	_ =	swait.ge [sflag:s22], s20  }
0xa0: {  	s5 =	ssub.s32 $0x0, s20;
	[sflag:s22] =	ssyncset.done $0x0  }
0xa1: {  	[sflag:s22] =	ssyncadd.s32 s5;
	_ =	sdelay $0x1  }
0xa2: {  	s23 =	simm.s32 $0x1B8B  }
0xa3: {  	_ =	swait.ge [sflag:s23], $0x1  }
0xa4: {  	[sflag:s23] =	ssyncset.done $0x0  }
0xa5: {  	s25 =	simm.s32 $0x1B8E;
	s24 =	sld [smem:$0x3FFE];
	[sflag:s23] =	ssyncadd.s32 $0xFFFFFFFF  }
0xa6: {  	s26 =	simm.s32 $execute0_lowered;
	[smem:$0x3FD2] =	sst s25  }
0xa7: {  	s6 =	sshll.u32 s26, $0x1;
	_ =	strace $0x80000046;
	[dreg:$0x1] =	wrdreg $0xFFFFFFFF  }
0xa8: {  	s28 =	simm.s32 $_size_execute0_lowered;
	s4 =	sadd.s32 s4, s6;
	[dreg:$0x0] =	wrdreg $0x0  }
0xa9: {  	s6 =	sshll.u32 s28, $0x1;
	[dreg:$0x2] =	wrdreg s4  }
0xaa: {  	[dreg:$0x3] =	wrdreg s6  }
0xab: {  	[dreg:$0x4] =	wrdreg $0xC0  }
0xac: {  	_ =	task [dreg:s8], $0x5FFFF  }
0xad: {  	[dreg:$0x1] =	wrdreg $0xFFFFFFFF  }
0xae: {  	[dreg:$0x0] =	wrdreg $0x60  }
0xaf: {  	[dreg:$0x2] =	wrdreg s2  }
0xb0: {  	[dreg:$0x3] =	wrdreg s24  }
0xb1: {  	[dreg:$0x4] =	wrdreg s18  }
0xb2: {  	[dreg:$0x5] =	wrdreg $0x0  }
0xb3: {  	[dreg:$0x6] =	wrdreg $0x9  }
0xb4: {  	_ =	task.clear_ibuf [dreg:s8], $0x7FFFF;
	_ =	strace $0x90000046  }
0xb5: {  	s29 =	simm.s32 $0x9;
	_ =	strace $0x80000048  }
0xb6: {  	_ =	swait.ge [sflag:s29], $0x1  }
0xb7: {  	[sflag:s29] =	ssyncadd.s32 $0xFFFFFFFF  }
0xb8: {  	_ =	strace $0x90000048  }
0xb9: {  	_ =	sfence  }
0xba: {  	s30 =	sld [smem:$0x0];
	_ =	sdelay $0x2  }
0xbb: {  	s31 =	sshll.u32 s1, $0xD;
	s1 =	sshrl.u32 s1, $0x2  }
0xbc: {  	s3 =	sand.u32 $0x4000, s31;
	s1 =	sadd.s32 s1, s30  }
0xbd: {  	s0 =	sor.u32 s3, s0;
	s1 =	sshll.u32 s1, $0x11  }
0xbe: {  	s0 =	sor.u32 s1, s0  }
0xbf: {  	s0 =	sadd.s32 $0x8F2B, s0  }
0xc0: {  	[sflag:s0] =	ssyncadd.remote.s32 $0x1  }
0xc1: {  	_ =	sfence.sel $0xFFFF  }
0xc2: {  	[dreg:$0x0] =	wrdreg $0xFFFFFFFF;
	(pc) =	sbr.abs _section_cstart, $3  }
0xc3: {  	[dreg:$0x1] =	wrdreg $0xFFFFFFFF  }
0xc4: {  	_ =	task.clear_ibuf [dreg:s8], $0x2FFFF;
	_ =	strace $0x9FFFFFFF  }
0xc5: {  	(tm) =	ssettm $0x7FFFFFFF  }
tec
execute0_lowered:
.L_overlay_start_1:
0x0: {  	(tag) =	ssettag $0x1  }
0x1: {  	s1 =	rddreg [dreg:$0x0]  }
0x2: {  	s0 =	rddreg [dreg:$0x1]  }
0x3: {  	s2 =	rddreg [dreg:$0x2]  }
0x4: {  	s3 =	rddreg [dreg:$0x3];
	s14 =	stileid.u32  }
0x5: {  	s5 =	srdreg.scid;
	s4 =	simm.s32 $0x0;
	s28 =	simm.s32 $0x20  }
0x6: {  	s29 =	simm.s32 $0x14000;
	s30 =	simm.s32 $0x40;
	s31 =	simm.s32 $0x15600  }
0x7: {  	s6 =	smul.u32 $0x180, s14;
	s5 =	sand.u32 $0x1, s5;
	[smem:$0x7FF] =	sst s4  }
0x8: {  	s8 =	smul.u32 $0x14000, s14;
	s9 =	sadd.s32 $0x3800, s0;
	s10 =	sshll.u32 s14, $0x8  }
0x9: {  	s11 =	sadd.s32 $0x2B000, s0;
	s25 =	sshrl.u32 s14, $0x3;
	s13 =	sshll.u32 s14, $0x6  }
0xa: {  	s14 =	sshll.u32 s14, $0x7;
	s7 =	smul.u32 $0x140000, s5;
	_ =	strace $0x80000047  }
0xb: {  	s10 =	sadd.s32 s10, s0;
	[dreg:$0x5] =	wrdreg s11;
	s24 =	smul.u32 $0x28000, s5  }
0xc: {  	s26 =	ssub.s32 $0x2, s5;
	s11 =	smul.u32 $0x14000, s25;
	s5 =	sshll.u32 s5, $0x5  }
0xd: {  	s15 =	sand.u32 $0x380, s14;
	s14 =	simm.s32 $0x6;
	s6 =	sadd.s32 s6, s0  }
0xe: {  	s12 =	sshrl.u32 s26, $0x1;
	s16 =	sor.u32 s5, s13;
	s18 =	sadd.s32 $0x2800, s10  }
0xf: {  	s10 =	simm.s32 $0x2;
	s7 =	sadd.s32 s8, s7;
	s8 =	sadd.s32 s24, s11  }
0x10: {  	s12 =	ssub.s32 s26, s12;
	s6 =	sadd.s32 $0x1000, s6;
	[dreg:$0x8] =	wrdreg s18  }
0x11: {  	s26 =	sadd.s32 s13, s9;
	s11 =	simm.s32 $0x14180;
	s7 =	sshrl.u32 s7, $0x3  }
0x12: {  	s8 =	sor.u32 s15, s8;
	[dreg:$0x6] =	wrdreg s6;
	s21 =	smax.u32 s12, $0x1  }
0x13: {  	s0 =	sadd.s32 s7, s0;
	s7 =	sadd.s32 s9, s16;
	[dreg:$0xd] =	wrdreg s21  }
0x14: {  	s17 =	sshrl.u32 s8, $0x3;
	[dreg:$0x7] =	wrdreg s7;
	s7 =	sadd.s32 $0x400, s7  }
0x15: {  	s13 =	simm.s32 $0x5;
	s2 =	sadd.s32 s2, s17;
	[dreg:$0x9] =	wrdreg s7  }
0x16: {  	s6 =	simm.s32 $0x1;
	s19 =	sadd.s32 $0x2B200, s0;
	[dreg:$0xa] =	wrdreg s2  }
0x17: {  	s12 =	simm.s32 $0x4;
	s20 =	sadd.s32 $0x2B600, s0;
	[dreg:$0xb] =	wrdreg s19  }
0x18: {  	s15 =	simm.s32 $0x0;
	s22 =	sadd.s32 $0x2BA00, s0;
	[dreg:$0xc] =	wrdreg s20  }
0x19: {  	s8 =	simm.s32 $0x1A600;
	s23 =	sadd.s32 $0x2BE00, s0;
	[dreg:$0xe] =	wrdreg s22  }
0x1a: {  	s9 =	simm.s32 $0x14080;
	s24 =	sadd.s32 $0x2C200, s0;
	[dreg:$0xf] =	wrdreg s23  }
0x1b: {  	s25 =	sadd.s32 $0x2C600, s0;
	s18 =	sadd.s32 $0x2CA00, s0;
	[dreg:$0x10] =	wrdreg s24  }
0x1c: {  	s21 =	sadd.s32 $0x2D600, s0;
	[dreg:$0x11] =	wrdreg s25;
	s19 =	sadd.s32 $0x2CE00, s0  }
0x1d: {  	s20 =	sadd.s32 $0x2D200, s0;
	s22 =	sadd.s32 s5, s26;
	s23 =	simm.s32 $0x19600  }
0x1e: {  	s24 =	simm.s32 $0x7;
	s25 =	simm.s32 $0x14200;
	s26 =	simm.s32 $0x14E00  }
0x1f: {  	v0 =	vimm.f32 $0.0e+00;
	v1 =	vimm.f32 $1.000000000e+00;
	s2 =	simm.s32 $0x3;
	s0 =	simm.s32 $0x14100;
	s5 =	simm.s32 $0x17600  }
.LBB2_1:
0x20: {  	s7 =	rddreg [dreg:$0x5]  }
0x21: {  	[tilespmem:s23], [sflag:$0x7] =	stream.linear.gather [hbm4b:s7+s4], $0x1000, $0x38;
	[tilespmem:$0x1CE00] =	vst v63  }
0x22: {  	_ =	swait.ge [sflag:s24], $0x1000  }
0x23: {  	[sflag:s24] =	ssyncset.done $0x0  }
0x24: {  	s16 =	rddreg [dreg:$0x6];
	[sflag:s24] =	ssyncadd.s32 $0xFFFFF000  }
0x25: {  	[tilespmem:s25], [sflag:$0x7] =	stream.linear.gather [hbm4b:s16+s4], $0xA00, $0x38;
	[tilespmem:$0x1CE00] =	vst v63  }
0x26: {  	_ =	swait.ge [sflag:s24], $0xA00  }
0x27: {  	[sflag:s24] =	ssyncset.done $0x0  }
0x28: {  	s17 =	rddreg [dreg:$0x8];
	[sflag:s24] =	ssyncadd.s32 $0xFFFFF600  }
0x29: {  	[tilespmem:s26], [sflag:$0x7] =	stream.linear.gather [hbm4b:s17+s4], $0x500, $0x38;
	[tilespmem:$0x1CE00] =	vst v63  }
0x2a: {  	_ =	swait.ge [sflag:s24], $0x500  }
0x2b: {  	[sflag:s24] =	ssyncset.done $0x0  }
0x2c: {  	s16 =	simm.s32 $0x40;
	s17 =	simm.s32 $0x0;
	[sflag:s24] =	ssyncadd.s32 $0xFFFFFB00  }
.LBB2_2:
0x2d: {  	p0 =	sne.s32 s16, $0x9FC0;
	[tilespmem:s17+$0x1A600] =	vst v0;
	s17 =	smov.u32 s16;
	s16 =	sadd.s32 $0x40, s16  }
.Ltmp0:
0x2e: {  	(pc) =	sbr.rel @p0 .LBB2_2-.Ltmp0, $2  }
0x2f: {  	_ =	sdelay $0x2  }
0x30: {  	s17 =	sshra.s32 s17, $0x2  }
0x31: {  	[tilespmem:s17+$0x1A600] =	vst v0  }
0x32: {  	[spmem:s3] =	stream.indirect.scatter [tilespmem:s23], [sflag:$0x3], $0x80, s25, s28, $0xb8;
	[tilespmem:$0x1CE00] =	vst v63  }
0x33: {  	s7 =	simm.s32 $0x14280  }
0x34: {  	[spmem:s3] =	stream.indirect.scatter [tilespmem:s23], [sflag:$0x3], $0x80, s7, s28, $0xb8;
	[tilespmem:$0x1CE00] =	vst v63  }
0x35: {  	s16 =	simm.s32 $0x14300  }
0x36: {  	[spmem:s3] =	stream.indirect.scatter [tilespmem:s23], [sflag:$0x3], $0x80, s16, s28, $0xb8;
	[tilespmem:$0x1CE00] =	vst v63  }
0x37: {  	s17 =	simm.s32 $0x14380  }
0x38: {  	[spmem:s3] =	stream.indirect.scatter [tilespmem:s23], [sflag:$0x3], $0x80, s17, s28, $0xb8;
	[tilespmem:$0x1CE00] =	vst v63  }
0x39: {  	s16 =	simm.s32 $0x14400  }
0x3a: {  	[spmem:s3] =	stream.indirect.scatter [tilespmem:s23], [sflag:$0x3], $0x80, s16, s28, $0xb8;
	[tilespmem:$0x1CE00] =	vst v63  }
0x3b: {  	s17 =	simm.s32 $0x14480  }
0x3c: {  	[spmem:s3] =	stream.indirect.scatter [tilespmem:s23], [sflag:$0x3], $0x80, s17, s28, $0xb8;
	[tilespmem:$0x1CE00] =	vst v63  }
0x3d: {  	s16 =	simm.s32 $0x14500  }
0x3e: {  	[spmem:s3] =	stream.indirect.scatter [tilespmem:s23], [sflag:$0x3], $0x80, s16, s28, $0xb8;
	[tilespmem:$0x1CE00] =	vst v63  }
0x3f: {  	s17 =	simm.s32 $0x14580  }
0x40: {  	[spmem:s3] =	stream.indirect.scatter [tilespmem:s23], [sflag:$0x3], $0x80, s17, s28, $0xb8;
	[tilespmem:$0x1CE00] =	vst v63  }
0x41: {  	s16 =	simm.s32 $0x14600  }
0x42: {  	[spmem:s3] =	stream.indirect.scatter [tilespmem:s23], [sflag:$0x3], $0x80, s16, s28, $0xb8;
	[tilespmem:$0x1CE00] =	vst v63  }
0x43: {  	s17 =	simm.s32 $0x14680  }
0x44: {  	[spmem:s3] =	stream.indirect.scatter [tilespmem:s23], [sflag:$0x3], $0x80, s17, s28, $0xb8;
	[tilespmem:$0x1CE00] =	vst v63  }
0x45: {  	s16 =	simm.s32 $0x14700  }
0x46: {  	[spmem:s3] =	stream.indirect.scatter [tilespmem:s23], [sflag:$0x3], $0x80, s16, s28, $0xb8;
	[tilespmem:$0x1CE00] =	vst v63  }
0x47: {  	s17 =	simm.s32 $0x14780  }
0x48: {  	[spmem:s3] =	stream.indirect.scatter [tilespmem:s23], [sflag:$0x3], $0x80, s17, s28, $0xb8;
	[tilespmem:$0x1CE00] =	vst v63  }
0x49: {  	s16 =	simm.s32 $0x14800  }
0x4a: {  	[spmem:s3] =	stream.indirect.scatter [tilespmem:s23], [sflag:$0x3], $0x80, s16, s28, $0xb8;
	[tilespmem:$0x1CE00] =	vst v63  }
0x4b: {  	s17 =	simm.s32 $0x14880  }
0x4c: {  	[spmem:s3] =	stream.indirect.scatter [tilespmem:s23], [sflag:$0x3], $0x80, s17, s28, $0xb8;
	[tilespmem:$0x1CE00] =	vst v63  }
0x4d: {  	s16 =	simm.s32 $0x14900  }
0x4e: {  	[spmem:s3] =	stream.indirect.scatter [tilespmem:s23], [sflag:$0x3], $0x80, s16, s28, $0xb8;
	[tilespmem:$0x1CE00] =	vst v63  }
0x4f: {  	s17 =	simm.s32 $0x14980  }
0x50: {  	[spmem:s3] =	stream.indirect.scatter [tilespmem:s23], [sflag:$0x3], $0x80, s17, s28, $0xb8;
	[tilespmem:$0x1CE00] =	vst v63  }
0x51: {  	s16 =	simm.s32 $0x14A00  }
0x52: {  	[spmem:s3] =	stream.indirect.scatter [tilespmem:s23], [sflag:$0x3], $0x80, s16, s28, $0xb8;
	[tilespmem:$0x1CE00] =	vst v63  }
0x53: {  	s17 =	simm.s32 $0x14A80  }
0x54: {  	[spmem:s3] =	stream.indirect.scatter [tilespmem:s23], [sflag:$0x3], $0x80, s17, s28, $0xb8;
	[tilespmem:$0x1CE00] =	vst v63  }
0x55: {  	s16 =	simm.s32 $0x14B00  }
0x56: {  	[spmem:s3] =	stream.indirect.scatter [tilespmem:s23], [sflag:$0x3], $0x80, s16, s28, $0xb8;
	[tilespmem:$0x1CE00] =	vst v63  }
0x57: {  	s17 =	simm.s32 $0x14B80  }
0x58: {  	[spmem:s3] =	stream.indirect.scatter [tilespmem:s23], [sflag:$0x3], $0x80, s17, s28, $0xb8;
	[tilespmem:$0x1CE00] =	vst v63  }
0x59: {  	_ =	swait.ge [sflag:s2], $0x1000  }
0x5a: {  	[sflag:s2] =	ssyncset.done $0x0  }
0x5b: {  	[sflag:s2] =	ssyncadd.s32 $0xFFFFF000  }
0x5c: {  	_ =	swait.ge [sflag:s2], $0x1000  }
0x5d: {  	[sflag:s2] =	ssyncset.done $0x0  }
0x5e: {  	[sflag:s2] =	ssyncadd.s32 $0xFFFFF000  }
0x5f: {  	_ =	swait.ge [sflag:s2], $0x1000  }
0x60: {  	[sflag:s2] =	ssyncset.done $0x0  }
0x61: {  	[sflag:s2] =	ssyncadd.s32 $0xFFFFF000  }
0x62: {  	_ =	swait.ge [sflag:s2], $0x1000  }
0x63: {  	[sflag:s2] =	ssyncset.done $0x0  }
0x64: {  	[sflag:s2] =	ssyncadd.s32 $0xFFFFF000  }
0x65: {  	_ =	swait.ge [sflag:s2], $0x1000  }
0x66: {  	[sflag:s2] =	ssyncset.done $0x0  }
0x67: {  	[sflag:s2] =	ssyncadd.s32 $0xFFFFF000  }
0x68: {  	_ =	swait.ge [sflag:s2], $0x1000  }
0x69: {  	[sflag:s2] =	ssyncset.done $0x0  }
0x6a: {  	[sflag:s2] =	ssyncadd.s32 $0xFFFFF000  }
0x6b: {  	_ =	swait.ge [sflag:s2], $0x1000  }
0x6c: {  	[sflag:s2] =	ssyncset.done $0x0  }
0x6d: {  	[sflag:s2] =	ssyncadd.s32 $0xFFFFF000  }
0x6e: {  	_ =	swait.ge [sflag:s2], $0x1000  }
0x6f: {  	[sflag:s2] =	ssyncset.done $0x0  }
0x70: {  	[sflag:s2] =	ssyncadd.s32 $0xFFFFF000  }
0x71: {  	_ =	swait.ge [sflag:s2], $0x1000  }
0x72: {  	[sflag:s2] =	ssyncset.done $0x0  }
0x73: {  	[sflag:s2] =	ssyncadd.s32 $0xFFFFF000  }
0x74: {  	_ =	swait.ge [sflag:s2], $0x1000  }
0x75: {  	[sflag:s2] =	ssyncset.done $0x0  }
0x76: {  	[sflag:s2] =	ssyncadd.s32 $0xFFFFF000  }
0x77: {  	_ =	swait.ge [sflag:s2], $0x1000  }
0x78: {  	[sflag:s2] =	ssyncset.done $0x0  }
0x79: {  	[sflag:s2] =	ssyncadd.s32 $0xFFFFF000  }
0x7a: {  	_ =	swait.ge [sflag:s2], $0x1000  }
0x7b: {  	[sflag:s2] =	ssyncset.done $0x0  }
0x7c: {  	[sflag:s2] =	ssyncadd.s32 $0xFFFFF000  }
0x7d: {  	_ =	swait.ge [sflag:s2], $0x1000  }
0x7e: {  	[sflag:s2] =	ssyncset.done $0x0  }
0x7f: {  	[sflag:s2] =	ssyncadd.s32 $0xFFFFF000  }
0x80: {  	_ =	swait.ge [sflag:s2], $0x1000  }
0x81: {  	[sflag:s2] =	ssyncset.done $0x0  }
0x82: {  	[sflag:s2] =	ssyncadd.s32 $0xFFFFF000  }
0x83: {  	_ =	swait.ge [sflag:s2], $0x1000  }
0x84: {  	[sflag:s2] =	ssyncset.done $0x0  }
0x85: {  	[sflag:s2] =	ssyncadd.s32 $0xFFFFF000  }
0x86: {  	_ =	swait.ge [sflag:s2], $0x1000  }
0x87: {  	[sflag:s2] =	ssyncset.done $0x0  }
0x88: {  	[sflag:s2] =	ssyncadd.s32 $0xFFFFF000  }
0x89: {  	_ =	swait.ge [sflag:s2], $0x1000  }
0x8a: {  	[sflag:s2] =	ssyncset.done $0x0  }
0x8b: {  	[sflag:s2] =	ssyncadd.s32 $0xFFFFF000  }
0x8c: {  	_ =	swait.ge [sflag:s2], $0x1000  }
0x8d: {  	[sflag:s2] =	ssyncset.done $0x0  }
0x8e: {  	[sflag:s2] =	ssyncadd.s32 $0xFFFFF000  }
0x8f: {  	_ =	swait.ge [sflag:s2], $0x1000  }
0x90: {  	[sflag:s2] =	ssyncset.done $0x0  }
0x91: {  	[sflag:s2] =	ssyncadd.s32 $0xFFFFF000  }
0x92: {  	_ =	swait.ge [sflag:s2], $0x1000  }
0x93: {  	[sflag:s2] =	ssyncset.done $0x0  }
0x94: {  	[sflag:s2] =	ssyncadd.s32 $0xFFFFF000  }
0x95: {  	[bflag:$0x0] =	sbarrier.arrive $0xFFFF  }
0x96: {  	s16 =	rddreg [dreg:$0x7]  }
0x97: {  	[tilespmem:s29], [sflag:$0x7] =	stream.linear.gather [hbm4b:s16+s4], $0x100, $0x38;
	[tilespmem:$0x1CE00] =	vst v63  }
0x98: {  	_ =	swait.ge [sflag:s24], $0x100  }
0x99: {  	[sflag:s24] =	ssyncset.done $0x0  }
0x9a: {  	[sflag:s24] =	ssyncadd.s32 $0xFFFFFF00  }
0x9b: {  	[tilespmem:s31], [sflag:$0x1] =	stream.indirect.gather [hbm4b:s1+s30], $0x80, s29, s30, $0xb8;
	[tilespmem:$0x1CE00] =	vst v63  }
0x9c: {  	s17 =	rddreg [dreg:$0x9]  }
0x9d: {  	[tilespmem:s0], [sflag:$0x7] =	stream.linear.gather [hbm4b:s17+s4], $0x100, $0x38;
	[tilespmem:$0x1CE00] =	vst v63  }
0x9e: {  	_ =	swait.ge [sflag:s24], $0x100  }
0x9f: {  	[sflag:s24] =	ssyncset.done $0x0  }
0xa0: {  	[sflag:s24] =	ssyncadd.s32 $0xFFFFFF00  }
0xa1: {  	[tilespmem:s5], [sflag:$0x2] =	stream.indirect.gather [hbm4b:s1+s30], $0x80, s0, s30, $0xb8;
	[tilespmem:$0x1CE00] =	vst v63  }
0xa2: {  	_ =	swait.ge [sflag:s6], $0x2000  }
0xa3: {  	[sflag:s6] =	ssyncset.done $0x0  }
0xa4: {  	[sflag:s6] =	ssyncadd.s32 $0xFFFFE000  }
0xa5: {  	v2 =	vld [tilespmem:$0x14080];
	_ =	sdelay $0x7  }
0xa6: {  	[tilespmem:v2+s8+$0x0] =	vst.idx.add.f32.msk $0xffff, v1  }
0xa7: {  	v2 =	vld [tilespmem:$0x14090];
	_ =	sdelay $0x7  }
0xa8: {  	[tilespmem:v2+s8+$0x0] =	vst.idx.add.f32.msk $0xffff, v1  }
0xa9: {  	v2 =	vld [tilespmem:$0x140A0];
	_ =	sdelay $0x7  }
0xaa: {  	[tilespmem:v2+s8+$0x0] =	vst.idx.add.f32.msk $0xffff, v1  }
0xab: {  	v2 =	vld [tilespmem:$0x140B0];
	_ =	sdelay $0x7  }
0xac: {  	[tilespmem:v2+s8+$0x0] =	vst.idx.add.f32.msk $0xffff, v1  }
0xad: {  	[spmem:s3] =	stream.indirect.scatter.add.f32 [tilespmem:s31], [sflag:$0x3], $0x80, s9, s30, $0xb8;
	[tilespmem:$0x1CE00] =	vst v63  }
0xae: {  	_ =	swait.ge [sflag:s10], $0x2000  }
0xaf: {  	[sflag:s10] =	ssyncset.done $0x0  }
0xb0: {  	[sflag:s10] =	ssyncadd.s32 $0xFFFFE000  }
0xb1: {  	v2 =	vld [tilespmem:$0x14180];
	_ =	sdelay $0x7  }
0xb2: {  	[tilespmem:v2+s8+$0x0] =	vst.idx.add.f32.msk $0xffff, v1  }
0xb3: {  	v2 =	vld [tilespmem:$0x14190];
	_ =	sdelay $0x7  }
0xb4: {  	[tilespmem:v2+s8+$0x0] =	vst.idx.add.f32.msk $0xffff, v1  }
0xb5: {  	v2 =	vld [tilespmem:$0x141A0];
	_ =	sdelay $0x7  }
0xb6: {  	[tilespmem:v2+s8+$0x0] =	vst.idx.add.f32.msk $0xffff, v1  }
0xb7: {  	v2 =	vld [tilespmem:$0x141B0];
	_ =	sdelay $0x7  }
0xb8: {  	s16 =	simm.s32 $0xFFFD9000;
	[tilespmem:v2+s8+$0x0] =	vst.idx.add.f32.msk $0xffff, v1  }
0xb9: {  	[spmem:s3] =	stream.indirect.scatter.add.f32 [tilespmem:s5], [sflag:$0x4], $0x80, s11, s30, $0xb8;
	[tilespmem:$0x1CE00] =	vst v63  }
.LBB2_4:
0xba: {  	_ =	swait.ge [sflag:s2], $0x2000  }
0xbb: {  	s17 =	sadd.s32 s16, s22;
	[sflag:s2] =	ssyncset.done $0x0  }
0xbc: {  	s7 =	sadd.s32 $0x27800, s17;
	[sflag:s2] =	ssyncadd.s32 $0xFFFFE000  }
0xbd: {  	[tilespmem:s29], [sflag:$0x5] =	stream.linear.gather [hbm4b:s7+s4], $0x100, $0x38;
	[tilespmem:$0x1CE00] =	vst v63  }
0xbe: {  	_ =	swait.ge [sflag:s12], $0x2000  }
0xbf: {  	[sflag:s12] =	ssyncset.done $0x0  }
0xc0: {  	s17 =	sadd.s32 $0x27C00, s17;
	[sflag:s12] =	ssyncadd.s32 $0xFFFFE000  }
0xc1: {  	[tilespmem:s0], [sflag:$0x6] =	stream.linear.gather [hbm4b:s17+s4], $0x100, $0x38;
	[tilespmem:$0x1CE00] =	vst v63  }
0xc2: {  	_ =	swait.ge [sflag:s13], $0x100  }
0xc3: {  	[sflag:s13] =	ssyncset.done $0x0  }
0xc4: {  	[sflag:s13] =	ssyncadd.s32 $0xFFFFFF00  }
0xc5: {  	[tilespmem:s31], [sflag:$0x1] =	stream.indirect.gather [hbm4b:s1+s30], $0x80, s29, s30, $0xb8;
	[tilespmem:$0x1CE00] =	vst v63  }
0xc6: {  	_ =	swait.ge [sflag:s14], $0x100  }
0xc7: {  	[sflag:s14] =	ssyncset.done $0x0  }
0xc8: {  	[sflag:s14] =	ssyncadd.s32 $0xFFFFFF00  }
0xc9: {  	[tilespmem:s5], [sflag:$0x2] =	stream.indirect.gather [hbm4b:s1+s30], $0x80, s0, s30, $0xb8;
	[tilespmem:$0x1CE00] =	vst v63  }
0xca: {  	_ =	swait.ge [sflag:s6], $0x2000  }
0xcb: {  	[sflag:s6] =	ssyncset.done $0x0  }
0xcc: {  	[sflag:s6] =	ssyncadd.s32 $0xFFFFE000  }
0xcd: {  	v2 =	vld [tilespmem:$0x14080];
	_ =	sdelay $0x7  }
0xce: {  	[tilespmem:v2+s8+$0x0] =	vst.idx.add.f32.msk $0xffff, v1  }
0xcf: {  	v2 =	vld [tilespmem:$0x14090];
	_ =	sdelay $0x7  }
0xd0: {  	[tilespmem:v2+s8+$0x0] =	vst.idx.add.f32.msk $0xffff, v1  }
0xd1: {  	v2 =	vld [tilespmem:$0x140A0];
	_ =	sdelay $0x7  }
0xd2: {  	[tilespmem:v2+s8+$0x0] =	vst.idx.add.f32.msk $0xffff, v1  }
0xd3: {  	v2 =	vld [tilespmem:$0x140B0];
	_ =	sdelay $0x7  }
0xd4: {  	[tilespmem:v2+s8+$0x0] =	vst.idx.add.f32.msk $0xffff, v1  }
0xd5: {  	[spmem:s3] =	stream.indirect.scatter.add.f32 [tilespmem:s31], [sflag:$0x3], $0x80, s9, s30, $0xb8;
	[tilespmem:$0x1CE00] =	vst v63  }
0xd6: {  	_ =	swait.ge [sflag:s10], $0x2000  }
0xd7: {  	[sflag:s10] =	ssyncset.done $0x0  }
0xd8: {  	[sflag:s10] =	ssyncadd.s32 $0xFFFFE000  }
0xd9: {  	v2 =	vld [tilespmem:$0x14180];
	_ =	sdelay $0x7  }
0xda: {  	[tilespmem:v2+s8+$0x0] =	vst.idx.add.f32.msk $0xffff, v1  }
0xdb: {  	v2 =	vld [tilespmem:$0x14190];
	_ =	sdelay $0x7  }
0xdc: {  	[tilespmem:v2+s8+$0x0] =	vst.idx.add.f32.msk $0xffff, v1  }
0xdd: {  	v2 =	vld [tilespmem:$0x141A0];
	_ =	sdelay $0x7  }
0xde: {  	[tilespmem:v2+s8+$0x0] =	vst.idx.add.f32.msk $0xffff, v1  }
0xdf: {  	v2 =	vld [tilespmem:$0x141B0];
	_ =	sdelay $0x3  }
0xe0: {  	p0 =	sne.s32 s16, $0xFFFFF800  }
.Ltmp1:
0xe1: {  	_ = 	snop;
	(pc) =	sbr.rel @p0 .LBB2_4-.Ltmp1, $3  }
0xe2: {  	_ =	sdelay $0x1  }
0xe3: {  	s16 =	sadd.s32 $0x800, s16;
	[tilespmem:v2+s8+$0x0] =	vst.idx.add.f32.msk $0xffff, v1  }
0xe4: {  	[spmem:s3] =	stream.indirect.scatter.add.f32 [tilespmem:s5], [sflag:$0x4], $0x80, s11, s30, $0xb8;
	[tilespmem:$0x1CE00] =	vst v63  }
0xe5: {  	_ =	swait.ge [sflag:s2], $0x2000  }
0xe6: {  	[sflag:s2] =	ssyncset.done $0x0  }
0xe7: {  	[sflag:s2] =	ssyncadd.s32 $0xFFFFE000  }
0xe8: {  	_ =	swait.ge [sflag:s12], $0x2000  }
0xe9: {  	[sflag:s12] =	ssyncset.done $0x0  }
0xea: {  	[sflag:s12] =	ssyncadd.s32 $0xFFFFE000  }
0xeb: {  	[bflag:$0x0] =	sbarrier.arrive $0xFFFF  }
0xec: {  	s16 =	simm.s32 $0x80;
	s17 =	simm.s32 $0x400;
	s7 =	rddreg [dreg:$0xa]  }
0xed: {  	[hbm4b:s7+s16] =	stream.strided.scatter [tilespmem:s8], [sflag:$0x7], $0x2800, s17, s16, $0x38;
	[tilespmem:$0x1CE00] =	vst v63  }
0xee: {  	_ =	swait.ge [sflag:s24], $0x2800  }
0xef: {  	[sflag:s24] =	ssyncset.done $0x0  }
0xf0: {  	[sflag:s24] =	ssyncadd.s32 $0xFFFFD800  }
0xf1: {  	[tilespmem:s31], [sflag:$0x1] =	stream.indirect.gather [spmem:s3], $0x80, s26, s30, $0xb8;
	[tilespmem:$0x1CE00] =	vst v63  }
0xf2: {  	s16 =	simm.s32 $0x14E80  }
0xf3: {  	[tilespmem:s5], [sflag:$0x2] =	stream.indirect.gather [spmem:s3], $0x80, s16, s30, $0xb8;
	[tilespmem:$0x1CE00] =	vst v63  }
0xf4: {  	_ =	swait.ge [sflag:s6], $0x2000  }
0xf5: {  	[sflag:s6] =	ssyncset.done $0x0  }
0xf6: {  	s17 =	rddreg [dreg:$0xb];
	[sflag:s6] =	ssyncadd.s32 $0xFFFFE000  }
0xf7: {  	[hbm4b:s17+s4] =	stream.linear.scatter [tilespmem:s31], [sflag:$0x3], $0x2000, $0x38;
	[tilespmem:$0x1CE00] =	vst v63  }
0xf8: {  	_ =	swait.ge [sflag:s10], $0x2000  }
0xf9: {  	[sflag:s10] =	ssyncset.done $0x0  }
0xfa: {  	s16 =	rddreg [dreg:$0xc];
	[sflag:s10] =	ssyncadd.s32 $0xFFFFE000  }
0xfb: {  	[hbm4b:s16+s4] =	stream.linear.scatter [tilespmem:s5], [sflag:$0x4], $0x2000, $0x38;
	[tilespmem:$0x1CE00] =	vst v63  }
0xfc: {  	_ =	swait.ge [sflag:s2], $0x2000  }
0xfd: {  	[sflag:s2] =	ssyncset.done $0x0  }
0xfe: {  	s17 =	simm.s32 $0x14F00;
	[sflag:s2] =	ssyncadd.s32 $0xFFFFE000  }
0xff: {  	[tilespmem:s31], [sflag:$0x1] =	stream.indirect.gather [spmem:s3], $0x80, s17, s30, $0xb8;
	[tilespmem:$0x1CE00] =	vst v63  }
0x100: {  	_ =	swait.ge [sflag:s12], $0x2000  }
0x101: {  	[sflag:s12] =	ssyncset.done $0x0  }
0x102: {  	s16 =	simm.s32 $0x14F80;
	[sflag:s12] =	ssyncadd.s32 $0xFFFFE000  }
0x103: {  	[tilespmem:s5], [sflag:$0x2] =	stream.indirect.gather [spmem:s3], $0x80, s16, s30, $0xb8;
	[tilespmem:$0x1CE00] =	vst v63  }
0x104: {  	_ =	swait.ge [sflag:s6], $0x2000  }
0x105: {  	[sflag:s6] =	ssyncset.done $0x0  }
0x106: {  	s17 =	rddreg [dreg:$0xe];
	[sflag:s6] =	ssyncadd.s32 $0xFFFFE000  }
0x107: {  	[hbm4b:s17+s4] =	stream.linear.scatter [tilespmem:s31], [sflag:$0x3], $0x2000, $0x38;
	[tilespmem:$0x1CE00] =	vst v63  }
0x108: {  	_ =	swait.ge [sflag:s10], $0x2000  }
0x109: {  	[sflag:s10] =	ssyncset.done $0x0  }
0x10a: {  	s16 =	rddreg [dreg:$0xf];
	[sflag:s10] =	ssyncadd.s32 $0xFFFFE000  }
0x10b: {  	[hbm4b:s16+s4] =	stream.linear.scatter [tilespmem:s5], [sflag:$0x4], $0x2000, $0x38;
	[tilespmem:$0x1CE00] =	vst v63  }
0x10c: {  	_ =	swait.ge [sflag:s2], $0x2000  }
0x10d: {  	[sflag:s2] =	ssyncset.done $0x0  }
0x10e: {  	s17 =	simm.s32 $0x15000;
	[sflag:s2] =	ssyncadd.s32 $0xFFFFE000  }
0x10f: {  	[tilespmem:s31], [sflag:$0x1] =	stream.indirect.gather [spmem:s3], $0x80, s17, s30, $0xb8;
	[tilespmem:$0x1CE00] =	vst v63  }
0x110: {  	_ =	swait.ge [sflag:s12], $0x2000  }
0x111: {  	[sflag:s12] =	ssyncset.done $0x0  }
0x112: {  	s16 =	simm.s32 $0x15080;
	[sflag:s12] =	ssyncadd.s32 $0xFFFFE000  }
0x113: {  	[tilespmem:s5], [sflag:$0x2] =	stream.indirect.gather [spmem:s3], $0x80, s16, s30, $0xb8;
	[tilespmem:$0x1CE00] =	vst v63  }
0x114: {  	_ =	swait.ge [sflag:s6], $0x2000  }
0x115: {  	[sflag:s6] =	ssyncset.done $0x0  }
0x116: {  	s17 =	rddreg [dreg:$0x10];
	[sflag:s6] =	ssyncadd.s32 $0xFFFFE000  }
0x117: {  	[hbm4b:s17+s4] =	stream.linear.scatter [tilespmem:s31], [sflag:$0x3], $0x2000, $0x38;
	[tilespmem:$0x1CE00] =	vst v63  }
0x118: {  	_ =	swait.ge [sflag:s10], $0x2000  }
0x119: {  	[sflag:s10] =	ssyncset.done $0x0  }
0x11a: {  	s16 =	rddreg [dreg:$0x11];
	[sflag:s10] =	ssyncadd.s32 $0xFFFFE000  }
0x11b: {  	[hbm4b:s16+s4] =	stream.linear.scatter [tilespmem:s5], [sflag:$0x4], $0x2000, $0x38;
	[tilespmem:$0x1CE00] =	vst v63  }
0x11c: {  	_ =	swait.ge [sflag:s2], $0x2000  }
0x11d: {  	[sflag:s2] =	ssyncset.done $0x0  }
0x11e: {  	s17 =	simm.s32 $0x15100;
	[sflag:s2] =	ssyncadd.s32 $0xFFFFE000  }
0x11f: {  	[tilespmem:s31], [sflag:$0x1] =	stream.indirect.gather [spmem:s3], $0x80, s17, s30, $0xb8;
	[tilespmem:$0x1CE00] =	vst v63  }
0x120: {  	_ =	swait.ge [sflag:s12], $0x2000  }
0x121: {  	[sflag:s12] =	ssyncset.done $0x0  }
0x122: {  	s16 =	simm.s32 $0x15180;
	[sflag:s12] =	ssyncadd.s32 $0xFFFFE000  }
0x123: {  	[tilespmem:s5], [sflag:$0x2] =	stream.indirect.gather [spmem:s3], $0x80, s16, s30, $0xb8;
	[tilespmem:$0x1CE00] =	vst v63  }
0x124: {  	_ =	swait.ge [sflag:s6], $0x2000  }
0x125: {  	[sflag:s6] =	ssyncset.done $0x0  }
0x126: {  	[sflag:s6] =	ssyncadd.s32 $0xFFFFE000  }
0x127: {  	[hbm4b:s18+s4] =	stream.linear.scatter [tilespmem:s31], [sflag:$0x3], $0x2000, $0x38;
	[tilespmem:$0x1CE00] =	vst v63  }
0x128: {  	_ =	swait.ge [sflag:s10], $0x2000  }
0x129: {  	[sflag:s10] =	ssyncset.done $0x0  }
0x12a: {  	[sflag:s10] =	ssyncadd.s32 $0xFFFFE000  }
0x12b: {  	[hbm4b:s19+s4] =	stream.linear.scatter [tilespmem:s5], [sflag:$0x4], $0x2000, $0x38;
	[tilespmem:$0x1CE00] =	vst v63  }
0x12c: {  	_ =	swait.ge [sflag:s2], $0x2000  }
0x12d: {  	[sflag:s2] =	ssyncset.done $0x0  }
0x12e: {  	s17 =	simm.s32 $0x15200;
	[sflag:s2] =	ssyncadd.s32 $0xFFFFE000  }
0x12f: {  	[tilespmem:s31], [sflag:$0x1] =	stream.indirect.gather [spmem:s3], $0x80, s17, s30, $0xb8;
	[tilespmem:$0x1CE00] =	vst v63  }
0x130: {  	_ =	swait.ge [sflag:s12], $0x2000  }
0x131: {  	[sflag:s12] =	ssyncset.done $0x0  }
0x132: {  	s16 =	simm.s32 $0x15280;
	[sflag:s12] =	ssyncadd.s32 $0xFFFFE000  }
0x133: {  	[tilespmem:s5], [sflag:$0x2] =	stream.indirect.gather [spmem:s3], $0x80, s16, s30, $0xb8;
	[tilespmem:$0x1CE00] =	vst v63  }
0x134: {  	_ =	swait.ge [sflag:s6], $0x2000  }
0x135: {  	[sflag:s6] =	ssyncset.done $0x0  }
0x136: {  	[sflag:s6] =	ssyncadd.s32 $0xFFFFE000  }
0x137: {  	[hbm4b:s20+s4] =	stream.linear.scatter [tilespmem:s31], [sflag:$0x3], $0x2000, $0x38;
	[tilespmem:$0x1CE00] =	vst v63  }
0x138: {  	_ =	swait.ge [sflag:s10], $0x2000  }
0x139: {  	[sflag:s10] =	ssyncset.done $0x0  }
0x13a: {  	[sflag:s10] =	ssyncadd.s32 $0xFFFFE000  }
0x13b: {  	[hbm4b:s21+s4] =	stream.linear.scatter [tilespmem:s5], [sflag:$0x4], $0x2000, $0x38;
	[tilespmem:$0x1CE00] =	vst v63  }
0x13c: {  	_ =	swait.ge [sflag:s2], $0x2000  }
0x13d: {  	[sflag:s2] =	ssyncset.done $0x0  }
0x13e: {  	[sflag:s2] =	ssyncadd.s32 $0xFFFFE000  }
0x13f: {  	_ =	swait.ge [sflag:s12], $0x2000  }
0x140: {  	s15 =	sadd.s32 $0x1, s15;
	s17 =	rddreg [dreg:$0xd]  }
0x141: {  	p0 =	sne.s32 s15, s17  }
.Ltmp2:
0x142: {  	_ = 	snop;
	(pc) =	sbr.rel @p0 .LBB2_1-.Ltmp2, $3  }
0x143: {  	_ =	sdelay $0x1  }
0x144: {  	[sflag:s12] =	ssyncset.done $0x0  }
0x145: {  	[sflag:s12] =	ssyncadd.s32 $0xFFFFE000  }
0x146: {  	_ =	sfence.sel $0x180000  }
0x147: {  	[bflag:$0x0] =	sbarrier.arrive $0xFFFF  }
0x148: {  	_ =	strace $0x90000047  }
0x149: {  	s0 =	stileid.u32;
	[bflag:$0x2] =	sbarrier.arrive $0xFFFF  }
0x14a: {  	p0 =	sne.s32 s0, $0x0;
	s0 =	rddreg [dreg:$0x4]  }
0x14b: {  	s0 =	sadd.s32 @!p0 $0x100000, s0  }
0x14c: {  	[sflag:s0] =	ssyncadd.tile.s32 @!p0 $0x1;
	_ =	shalt  }
.Lfunc_end2:
_tile_overlayer_lowered:
.L_overlay_start_2:
0x14d: {  	(tag) =	ssettag $0x2  }
0x14e: {  	s0 =	rddreg [dreg:$0x0];
	s2 =	stileid.u32  }
0x14f: {  	s1 =	rddreg [dreg:$0x1];
	p0 =	sne.s32 s2, $0x0  }
0x150: {  	s3 =	rddreg [dreg:$0x2];
	[bflag:$0x3] =	sbarrier.arrive $0xFFFF;
	s2 =	simm.s32 @!p0 $0x1C07  }
0x151: {  	[timem:s3], [sflag:s2] =	dma.local @!p0 [hbm:s0], s1  }
0x152: {  	s0 =	simm.s32 @!p0 $0x7  }
0x153: {  	_ =	swait.ge @!p0 [sflag:s0], s1  }
0x154: {  	s1 =	ssub.s32 @!p0 $0x0, s1;
	[sflag:s0] =	ssyncset.done @!p0 $0x0  }
0x155: {  	[sflag:s0] =	ssyncadd.s32 @!p0 s1  }
0x156: {  	[bflag:$0x3] =	sbarrier.arrive $0xFFFF  }
0x157: {  	_ =	shalt  }

</sc_bundles>
